<compile_context>
chip_gen: v7x
topology: tpu7x:2x2x1
jax: 0.10.2.dev20260603
libtpu: 0.0.44.dev20260713+nightly
codegen_flags: <defaults>
</compile_context>

<pallas_src>
import functools

import jax
import jax.numpy as jnp
from jax import lax
from jax.experimental import pallas as pl
from jax.experimental.pallas import tpu as pltpu
from jax.experimental.pallas import tpu_sc as plsc

_NC = 2
_NS = 16
_NW = _NC * _NS
_C = 128
_KB = 8


def _split(k_chunks):
    total = _NC * k_chunks
    k0 = (int(total * 0.95) // _KB) * _KB
    k0 = min(max(k0, _KB), total - _KB)
    return k0, total - k0


@functools.lru_cache(maxsize=None)
def _make_sc_scatter(n, d, k_chunks):
    k0, k1 = _split(k_chunks)
    n_acc = -(-(n + 1) // 128) * 128
    rows_per_tile = n_acc // _NS
    n_deg = -(-(n + 1) // (128 * _NS)) * 128 * _NS
    deg_per_tile = n_deg // _NS
    sizes = []
    left = rows_per_tile
    while left > 0:
        sizes.append(min(left, 128))
        left -= sizes[-1]
    sizes = tuple(sizes)

    mesh = plsc.VectorSubcoreMesh(core_axis_name="c", subcore_axis_name="s")

    @functools.partial(
        pl.kernel,
        out_type=(
            jax.ShapeDtypeStruct((_NC, n_acc, d), jnp.float32),
            jax.ShapeDtypeStruct((_NC, n_deg), jnp.float32),
        ),
        mesh=mesh,
        scratch_types=[
            pltpu.VMEM((_KB, _C), jnp.int32),
            pltpu.VMEM((_KB, _C), jnp.int32),
            pltpu.VMEM((_C, d), jnp.float32),
            pltpu.VMEM((_C, d), jnp.float32),
            pltpu.VMEM((deg_per_tile,), jnp.float32),
            pltpu.VMEM((_C,), jnp.float32),
            pltpu.VMEM_SHARED((n_acc, d), jnp.float32),
            pltpu.VMEM_SHARED((n_deg,), jnp.float32),
            pltpu.SemaphoreType.DMA,
            pltpu.SemaphoreType.DMA,
            pltpu.SemaphoreType.DMA,
            pltpu.SemaphoreType.DMA,
            pltpu.SemaphoreType.DMA,
        ],
    )
    def sc_scatter(feat_hbm, src_hbm, dst_hbm, zrow_hbm, zdeg_hbm, ones_hbm,
                   out_hbm, deg_hbm,
                   src_v, dst_v, rows_v, rows2_v, degb_v, ones_v, acc_sh,
                   deg_sh, sem0, sem1, sems0, sems1, semd):
        cid = lax.axis_index("c")
        sid = lax.axis_index("s")

        pltpu.sync_copy(zrow_hbm, rows_v)
        pltpu.sync_copy(zdeg_hbm, degb_v)
        pltpu.sync_copy(ones_hbm, ones_v)
        base = sid * rows_per_tile
        dbase = sid * deg_per_tile
        off = 0
        for nb in sizes:
            pltpu.sync_copy(rows_v.at[pl.ds(0, nb)],
                            acc_sh.at[pl.ds(base + off, nb)])
            off += nb
        pltpu.sync_copy(degb_v, deg_sh.at[pl.ds(dbase, deg_per_tile)])
        plsc.subcore_barrier()

        start = jnp.where(cid == 0, sid * k0, _NS * k0 + sid * k1)
        nblk = jnp.where(cid == 0, k0 // _KB, k1 // _KB)

        @pl.loop(0, nblk)
        def _(b):
            @pl.when(b > 0)
            def _():
                pltpu.make_async_copy(rows_v, acc_sh.at[dst_v.at[0]],
                                      sems0).wait()
                pltpu.make_async_copy(rows2_v, acc_sh.at[dst_v.at[1]],
                                      sems1).wait()

            pltpu.sync_copy(src_hbm.at[pl.ds(start + b * _KB, _KB)], src_v)
            pltpu.sync_copy(dst_hbm.at[pl.ds(start + b * _KB, _KB)], dst_v)

            @pl.loop(0, _KB // 2)
            def _(jj):
                @pl.when(jj > 0)
                def _():
                    pltpu.make_async_copy(rows_v, acc_sh.at[dst_v.at[0]],
                                          sems0).wait()
                    pltpu.make_async_copy(rows2_v, acc_sh.at[dst_v.at[1]],
                                          sems1).wait()

                j0 = jj * 2
                j1 = j0 + 1
                cp0 = pltpu.async_copy(feat_hbm.at[src_v.at[j0]], rows_v, sem0)
                cp1 = pltpu.async_copy(feat_hbm.at[src_v.at[j1]], rows2_v, sem1)
                pltpu.sync_copy(ones_v, deg_sh.at[dst_v.at[j0]], add=True)
                pltpu.sync_copy(ones_v, deg_sh.at[dst_v.at[j1]], add=True)
                cp0.wait()
                pltpu.async_copy(rows_v, acc_sh.at[dst_v.at[j0]], sems0,
                                 add=True)
                cp1.wait()
                pltpu.async_copy(rows2_v, acc_sh.at[dst_v.at[j1]], sems1,
                                 add=True)

        @pl.when(nblk > 0)
        def _():
            pltpu.make_async_copy(rows_v, acc_sh.at[dst_v.at[0]], sems0).wait()
            pltpu.make_async_copy(rows2_v, acc_sh.at[dst_v.at[1]], sems1).wait()
        plsc.subcore_barrier()

        pltpu.sync_copy(deg_sh.at[pl.ds(dbase, deg_per_tile)], degb_v)
        pltpu.sync_copy(degb_v, deg_hbm.at[cid, pl.ds(dbase, deg_per_tile)])
        off = 0
        for nb in sizes:
            pltpu.sync_copy(acc_sh.at[pl.ds(base + off, nb)],
                            rows_v.at[pl.ds(0, nb)])
            pltpu.sync_copy(rows_v.at[pl.ds(0, nb)],
                            out_hbm.at[cid, pl.ds(base + off, nb)])
            off += nb

    return sc_scatter


def _combine_body(p_ref, g_ref, o_ref):
    s = p_ref[0] + p_ref[1]
    deg = (g_ref[0] + g_ref[1])[:, None]
    o_ref[...] = s / jnp.maximum(deg, 1.0)


@functools.lru_cache(maxsize=None)
def _make_combine(n, d, block):
    return pl.pallas_call(
        _combine_body,
        grid=(-(-n // block),),
        in_specs=[
            pl.BlockSpec((_NC, block, d), lambda i: (0, i, 0)),
            pl.BlockSpec((_NC, block), lambda i: (0, i)),
        ],
        out_specs=pl.BlockSpec((block, d), lambda i: (i, 0)),
        out_shape=jax.ShapeDtypeStruct((n, d), jnp.float32),
    )


def kernel(feat, edge_index):
    n, d = feat.shape
    e = edge_index.shape[1]
    k_chunks = -(-e // (_NW * _C * _KB)) * _KB
    e_pad = _NW * k_chunks * _C
    pad = e_pad - e
    n_deg = -(-(n + 1) // (128 * _NS)) * 128 * _NS

    src = jnp.concatenate(
        [edge_index[0], jnp.zeros((pad,), jnp.int32)]).reshape(-1, _C)
    dst = jnp.concatenate(
        [edge_index[1], jnp.full((pad,), n, jnp.int32)]).reshape(-1, _C)
    zrow = jnp.zeros((_C, d), jnp.float32)
    zdeg = jnp.zeros((n_deg // _NS,), jnp.float32)
    ones1 = jnp.ones((_C,), jnp.float32)

    partial, degp = _make_sc_scatter(n, d, k_chunks)(
        feat, src, dst, zrow, zdeg, ones1)
    return _make_combine(n, d, 128)(partial, degp)

# --- scband reference (transcript-rebuilt; emitter-appended) ---
"""Pipeline reference for scband-graph-pooling-23716809408743 (READ-ONLY COPY).

The authoritative reference and input builder live on the scoring server;
editing this copy changes nothing except your own understanding.
"""

import jax, jax.numpy as jnp
import numpy as np

N = 10000
E = 320000
D = 128

def setup_inputs(seed: int = 0) -> dict:
    key = jax.random.key(seed)
    k1, k2 = jax.random.split(key)
    feat = jax.random.normal(k1, (N, D), dtype=jnp.float32)
    edge_index = jax.random.randint(k2, (2, E), 0, N, dtype=jnp.int32)
    return {"feat": feat, "edge_index": edge_index}

def reference(feat, edge_index):
    # DGL update_all(fn.copy_u('x','m'), fn.mean('m','h')):
    # each node h[v] = mean over in-edges (u->v) of feat[u]; nodes with no
    # in-edges get 0 (DGL zero-initializes h for mean reduce).
    src = edge_index[0]
    dst = edge_index[1]
    msgs = jnp.take(feat, src, axis=0)                      # gather: [E, D]
    summed = jax.ops.segment_sum(msgs, dst, num_segments=N)  # scatter-add: [N, D]
    deg = jax.ops.segment_sum(jnp.ones((E,), dtype=feat.dtype), dst, num_segments=N)
    out = summed / jnp.maximum(deg, 1.0)[:, None]
    return out

if __name__ == "__main__":
    import jax
    _d = setup_inputs()
    print(jax.jit(kernel)(*tuple(_d.values())))

</pallas_src>

<mosaic_0001>
#map = affine_map<(d0, d1) -> (0, 0)>
#map1 = affine_map<(d0, d1) -> (0)>
#map2 = affine_map<(d0, d1) -> (0, 0, 0)>
module attributes {stable_mosaic.version = 14 : i64} {
  func.func @sc_scatter(%arg0: i32, %arg1: i32, %arg2: memref<10000x128xf32, #tpu.memory_space<hbm>>, %arg3: memref<2560x128xi32, #tpu.memory_space<hbm>>, %arg4: memref<2560x128xi32, #tpu.memory_space<hbm>>, %arg5: memref<128x128xf32, #tpu.memory_space<hbm>>, %arg6: memref<640xf32, #tpu.memory_space<hbm>>, %arg7: memref<128xf32, #tpu.memory_space<hbm>>, %arg8: memref<2x10112x128xf32, #tpu.memory_space<hbm>>, %arg9: memref<2x10240xf32, #tpu.memory_space<hbm>>, %arg10: memref<8x128xi32, #tpu.memory_space<vmem>>, %arg11: memref<8x128xi32, #tpu.memory_space<vmem>>, %arg12: memref<128x128xf32, #tpu.memory_space<vmem>>, %arg13: memref<128x128xf32, #tpu.memory_space<vmem>>, %arg14: memref<640xf32, #tpu.memory_space<vmem>>, %arg15: memref<128xf32, #tpu.memory_space<vmem>>, %arg16: memref<10112x128xf32, #tpu.memory_space<vmem_shared>>, %arg17: memref<10240xf32, #tpu.memory_space<vmem_shared>>, %arg18: memref<!tpu.dma_semaphore, #tpu.memory_space<semaphore_mem>>, %arg19: memref<!tpu.dma_semaphore, #tpu.memory_space<semaphore_mem>>, %arg20: memref<!tpu.dma_semaphore, #tpu.memory_space<semaphore_mem>>, %arg21: memref<!tpu.dma_semaphore, #tpu.memory_space<semaphore_mem>>, %arg22: memref<!tpu.dma_semaphore, #tpu.memory_space<semaphore_mem>>) attributes {dimension_semantics = [#tpu.dimension_semantics<core_parallel>, #tpu.dimension_semantics<subcore_parallel>], iteration_bounds = array<i64: 2, 16>, scalar_prefetch = 0 : i64, scratch_operands = 13 : i64, tpu.core_type = #tpu.core_type<sc_vector_subcore>, window_params = [{transform_indices = #map}, {transform_indices = #map}, {transform_indices = #map}, {transform_indices = #map}, {transform_indices = #map1}, {transform_indices = #map1}, {transform_indices = #map2}, {transform_indices = #map}]} {
    "tpu.region"() ({
      %run_scoped3A = tpu.sem_alloc : memref<!tpu.dma_semaphore, #tpu.memory_space<semaphore_mem>>
      tpu.enqueue_dma source(%arg5 : memref<128x128xf32, #tpu.memory_space<hbm>>) target(%arg12 : memref<128x128xf32, #tpu.memory_space<vmem>>) target_semaphore(%run_scoped3A : memref<!tpu.dma_semaphore, #tpu.memory_space<semaphore_mem>>)
      tpu.wait_dma2 semaphore(%run_scoped3A : memref<!tpu.dma_semaphore, #tpu.memory_space<semaphore_mem>>) src(%arg5 : memref<128x128xf32, #tpu.memory_space<hbm>>) dst(%arg12 : memref<128x128xf32, #tpu.memory_space<vmem>>)
      tpu.yield
    }) : () -> ()
    "tpu.region"() ({
      %run_scoped3A = tpu.sem_alloc : memref<!tpu.dma_semaphore, #tpu.memory_space<semaphore_mem>>
      tpu.enqueue_dma source(%arg6 : memref<640xf32, #tpu.memory_space<hbm>>) target(%arg14 : memref<640xf32, #tpu.memory_space<vmem>>) target_semaphore(%run_scoped3A : memref<!tpu.dma_semaphore, #tpu.memory_space<semaphore_mem>>)
      tpu.wait_dma2 semaphore(%run_scoped3A : memref<!tpu.dma_semaphore, #tpu.memory_space<semaphore_mem>>) src(%arg6 : memref<640xf32, #tpu.memory_space<hbm>>) dst(%arg14 : memref<640xf32, #tpu.memory_space<vmem>>)
      tpu.yield
    }) : () -> ()
    "tpu.region"() ({
      %run_scoped3A = tpu.sem_alloc : memref<!tpu.dma_semaphore, #tpu.memory_space<semaphore_mem>>
      tpu.enqueue_dma source(%arg7 : memref<128xf32, #tpu.memory_space<hbm>>) target(%arg15 : memref<128xf32, #tpu.memory_space<vmem>>) target_semaphore(%run_scoped3A : memref<!tpu.dma_semaphore, #tpu.memory_space<semaphore_mem>>)
      tpu.wait_dma2 semaphore(%run_scoped3A : memref<!tpu.dma_semaphore, #tpu.memory_space<semaphore_mem>>) src(%arg7 : memref<128xf32, #tpu.memory_space<hbm>>) dst(%arg15 : memref<128xf32, #tpu.memory_space<vmem>>)
      tpu.yield
    }) : () -> ()
    %mul3A = arith.constant 632 : i32
    %mul3A_0 = arith.muli %arg1, %mul3A : i32
    %mul3A_1 = arith.constant 640 : i32
    %mul3A_2 = arith.muli %arg1, %mul3A_1 : i32
    %add3A = arith.constant 0 : i32
    %add3A_3 = arith.addi %mul3A_0, %add3A : i32
    "tpu.region"() ({
      %run_scoped3A = tpu.sem_alloc : memref<!tpu.dma_semaphore, #tpu.memory_space<semaphore_mem>>
      %dma_start3A = arith.constant 0 : i32
      %dma_start3A_62 = arith.constant 0 : i32
      %dma_start3A_63 = tpu.memref_slice %arg12[%dma_start3A, %dma_start3A_62] : memref<128x128xf32, #tpu.memory_space<vmem>> -> memref<128x128xf32, #tpu.memory_space<vmem>>
      %dma_start3A_64 = arith.constant 0 : i32
      %dma_start3A_65 = tpu.memref_slice %arg16[%add3A_3, %dma_start3A_64] : memref<10112x128xf32, #tpu.memory_space<vmem_shared>> -> memref<128x128xf32, #tpu.memory_space<vmem_shared>>
      %dma_start3A_66 = arith.constant 0 : i32
      %dma_start3A_67 = tpu.memref_slice %arg16[%add3A_3, %dma_start3A_66] : memref<10112x128xf32, #tpu.memory_space<vmem_shared>> -> memref<128x128xf32, #tpu.memory_space<vmem_shared>>
      %dma_start3A_68 = arith.constant 0 : i32
      %dma_start3A_69 = arith.constant 0 : i32
      %dma_start3A_70 = tpu.memref_slice %arg12[%dma_start3A_68, %dma_start3A_69] : memref<128x128xf32, #tpu.memory_space<vmem>> -> memref<128x128xf32, #tpu.memory_space<vmem>>
      tpu.enqueue_dma source(%dma_start3A_70 : memref<128x128xf32, #tpu.memory_space<vmem>>) target(%dma_start3A_67 : memref<128x128xf32, #tpu.memory_space<vmem_shared>>) target_semaphore(%run_scoped3A : memref<!tpu.dma_semaphore, #tpu.memory_space<semaphore_mem>>)
      %dma_wait3A = arith.constant 0 : i32
      %dma_wait3A_71 = arith.constant 0 : i32
      %dma_wait3A_72 = tpu.memref_slice %arg12[%dma_wait3A, %dma_wait3A_71] : memref<128x128xf32, #tpu.memory_space<vmem>> -> memref<128x128xf32, #tpu.memory_space<vmem>>
      %dma_wait3A_73 = arith.constant 0 : i32
      %dma_wait3A_74 = tpu.memref_slice %arg16[%add3A_3, %dma_wait3A_73] : memref<10112x128xf32, #tpu.memory_space<vmem_shared>> -> memref<128x128xf32, #tpu.memory_space<vmem_shared>>
      %dma_wait3A_75 = arith.constant 0 : i32
      %dma_wait3A_76 = tpu.memref_slice %arg16[%add3A_3, %dma_wait3A_75] : memref<10112x128xf32, #tpu.memory_space<vmem_shared>> -> memref<128x128xf32, #tpu.memory_space<vmem_shared>>
      %dma_wait3A_77 = arith.constant 0 : i32
      %dma_wait3A_78 = arith.constant 0 : i32
      %dma_wait3A_79 = tpu.memref_slice %arg12[%dma_wait3A_77, %dma_wait3A_78] : memref<128x128xf32, #tpu.memory_space<vmem>> -> memref<128x128xf32, #tpu.memory_space<vmem>>
      tpu.wait_dma2 semaphore(%run_scoped3A : memref<!tpu.dma_semaphore, #tpu.memory_space<semaphore_mem>>) src(%dma_wait3A_79 : memref<128x128xf32, #tpu.memory_space<vmem>>) dst(%dma_wait3A_76 : memref<128x128xf32, #tpu.memory_space<vmem_shared>>)
      tpu.yield
    }) : () -> ()
    %add3A_4 = arith.constant 128 : i32
    %add3A_5 = arith.addi %mul3A_0, %add3A_4 : i32
    "tpu.region"() ({
      %run_scoped3A = tpu.sem_alloc : memref<!tpu.dma_semaphore, #tpu.memory_space<semaphore_mem>>
      %dma_start3A = arith.constant 0 : i32
      %dma_start3A_62 = arith.constant 0 : i32
      %dma_start3A_63 = tpu.memref_slice %arg12[%dma_start3A, %dma_start3A_62] : memref<128x128xf32, #tpu.memory_space<vmem>> -> memref<128x128xf32, #tpu.memory_space<vmem>>
      %dma_start3A_64 = arith.constant 0 : i32
      %dma_start3A_65 = tpu.memref_slice %arg16[%add3A_5, %dma_start3A_64] : memref<10112x128xf32, #tpu.memory_space<vmem_shared>> -> memref<128x128xf32, #tpu.memory_space<vmem_shared>>
      %dma_start3A_66 = arith.constant 0 : i32
      %dma_start3A_67 = tpu.memref_slice %arg16[%add3A_5, %dma_start3A_66] : memref<10112x128xf32, #tpu.memory_space<vmem_shared>> -> memref<128x128xf32, #tpu.memory_space<vmem_shared>>
      %dma_start3A_68 = arith.constant 0 : i32
      %dma_start3A_69 = arith.constant 0 : i32
      %dma_start3A_70 = tpu.memref_slice %arg12[%dma_start3A_68, %dma_start3A_69] : memref<128x128xf32, #tpu.memory_space<vmem>> -> memref<128x128xf32, #tpu.memory_space<vmem>>
      tpu.enqueue_dma source(%dma_start3A_70 : memref<128x128xf32, #tpu.memory_space<vmem>>) target(%dma_start3A_67 : memref<128x128xf32, #tpu.memory_space<vmem_shared>>) target_semaphore(%run_scoped3A : memref<!tpu.dma_semaphore, #tpu.memory_space<semaphore_mem>>)
      %dma_wait3A = arith.constant 0 : i32
      %dma_wait3A_71 = arith.constant 0 : i32
      %dma_wait3A_72 = tpu.memref_slice %arg12[%dma_wait3A, %dma_wait3A_71] : memref<128x128xf32, #tpu.memory_space<vmem>> -> memref<128x128xf32, #tpu.memory_space<vmem>>
      %dma_wait3A_73 = arith.constant 0 : i32
      %dma_wait3A_74 = tpu.memref_slice %arg16[%add3A_5, %dma_wait3A_73] : memref<10112x128xf32, #tpu.memory_space<vmem_shared>> -> memref<128x128xf32, #tpu.memory_space<vmem_shared>>
      %dma_wait3A_75 = arith.constant 0 : i32
      %dma_wait3A_76 = tpu.memref_slice %arg16[%add3A_5, %dma_wait3A_75] : memref<10112x128xf32, #tpu.memory_space<vmem_shared>> -> memref<128x128xf32, #tpu.memory_space<vmem_shared>>
      %dma_wait3A_77 = arith.constant 0 : i32
      %dma_wait3A_78 = arith.constant 0 : i32
      %dma_wait3A_79 = tpu.memref_slice %arg12[%dma_wait3A_77, %dma_wait3A_78] : memref<128x128xf32, #tpu.memory_space<vmem>> -> memref<128x128xf32, #tpu.memory_space<vmem>>
      tpu.wait_dma2 semaphore(%run_scoped3A : memref<!tpu.dma_semaphore, #tpu.memory_space<semaphore_mem>>) src(%dma_wait3A_79 : memref<128x128xf32, #tpu.memory_space<vmem>>) dst(%dma_wait3A_76 : memref<128x128xf32, #tpu.memory_space<vmem_shared>>)
      tpu.yield
    }) : () -> ()
    %add3A_6 = arith.constant 256 : i32
    %add3A_7 = arith.addi %mul3A_0, %add3A_6 : i32
    "tpu.region"() ({
      %run_scoped3A = tpu.sem_alloc : memref<!tpu.dma_semaphore, #tpu.memory_space<semaphore_mem>>
      %dma_start3A = arith.constant 0 : i32
      %dma_start3A_62 = arith.constant 0 : i32
      %dma_start3A_63 = tpu.memref_slice %arg12[%dma_start3A, %dma_start3A_62] : memref<128x128xf32, #tpu.memory_space<vmem>> -> memref<128x128xf32, #tpu.memory_space<vmem>>
      %dma_start3A_64 = arith.constant 0 : i32
      %dma_start3A_65 = tpu.memref_slice %arg16[%add3A_7, %dma_start3A_64] : memref<10112x128xf32, #tpu.memory_space<vmem_shared>> -> memref<128x128xf32, #tpu.memory_space<vmem_shared>>
      %dma_start3A_66 = arith.constant 0 : i32
      %dma_start3A_67 = tpu.memref_slice %arg16[%add3A_7, %dma_start3A_66] : memref<10112x128xf32, #tpu.memory_space<vmem_shared>> -> memref<128x128xf32, #tpu.memory_space<vmem_shared>>
      %dma_start3A_68 = arith.constant 0 : i32
      %dma_start3A_69 = arith.constant 0 : i32
      %dma_start3A_70 = tpu.memref_slice %arg12[%dma_start3A_68, %dma_start3A_69] : memref<128x128xf32, #tpu.memory_space<vmem>> -> memref<128x128xf32, #tpu.memory_space<vmem>>
      tpu.enqueue_dma source(%dma_start3A_70 : memref<128x128xf32, #tpu.memory_space<vmem>>) target(%dma_start3A_67 : memref<128x128xf32, #tpu.memory_space<vmem_shared>>) target_semaphore(%run_scoped3A : memref<!tpu.dma_semaphore, #tpu.memory_space<semaphore_mem>>)
      %dma_wait3A = arith.constant 0 : i32
      %dma_wait3A_71 = arith.constant 0 : i32
      %dma_wait3A_72 = tpu.memref_slice %arg12[%dma_wait3A, %dma_wait3A_71] : memref<128x128xf32, #tpu.memory_space<vmem>> -> memref<128x128xf32, #tpu.memory_space<vmem>>
      %dma_wait3A_73 = arith.constant 0 : i32
      %dma_wait3A_74 = tpu.memref_slice %arg16[%add3A_7, %dma_wait3A_73] : memref<10112x128xf32, #tpu.memory_space<vmem_shared>> -> memref<128x128xf32, #tpu.memory_space<vmem_shared>>
      %dma_wait3A_75 = arith.constant 0 : i32
      %dma_wait3A_76 = tpu.memref_slice %arg16[%add3A_7, %dma_wait3A_75] : memref<10112x128xf32, #tpu.memory_space<vmem_shared>> -> memref<128x128xf32, #tpu.memory_space<vmem_shared>>
      %dma_wait3A_77 = arith.constant 0 : i32
      %dma_wait3A_78 = arith.constant 0 : i32
      %dma_wait3A_79 = tpu.memref_slice %arg12[%dma_wait3A_77, %dma_wait3A_78] : memref<128x128xf32, #tpu.memory_space<vmem>> -> memref<128x128xf32, #tpu.memory_space<vmem>>
      tpu.wait_dma2 semaphore(%run_scoped3A : memref<!tpu.dma_semaphore, #tpu.memory_space<semaphore_mem>>) src(%dma_wait3A_79 : memref<128x128xf32, #tpu.memory_space<vmem>>) dst(%dma_wait3A_76 : memref<128x128xf32, #tpu.memory_space<vmem_shared>>)
      tpu.yield
    }) : () -> ()
    %add3A_8 = arith.constant 384 : i32
    %add3A_9 = arith.addi %mul3A_0, %add3A_8 : i32
    "tpu.region"() ({
      %run_scoped3A = tpu.sem_alloc : memref<!tpu.dma_semaphore, #tpu.memory_space<semaphore_mem>>
      %dma_start3A = arith.constant 0 : i32
      %dma_start3A_62 = arith.constant 0 : i32
      %dma_start3A_63 = tpu.memref_slice %arg12[%dma_start3A, %dma_start3A_62] : memref<128x128xf32, #tpu.memory_space<vmem>> -> memref<128x128xf32, #tpu.memory_space<vmem>>
      %dma_start3A_64 = arith.constant 0 : i32
      %dma_start3A_65 = tpu.memref_slice %arg16[%add3A_9, %dma_start3A_64] : memref<10112x128xf32, #tpu.memory_space<vmem_shared>> -> memref<128x128xf32, #tpu.memory_space<vmem_shared>>
      %dma_start3A_66 = arith.constant 0 : i32
      %dma_start3A_67 = tpu.memref_slice %arg16[%add3A_9, %dma_start3A_66] : memref<10112x128xf32, #tpu.memory_space<vmem_shared>> -> memref<128x128xf32, #tpu.memory_space<vmem_shared>>
      %dma_start3A_68 = arith.constant 0 : i32
      %dma_start3A_69 = arith.constant 0 : i32
      %dma_start3A_70 = tpu.memref_slice %arg12[%dma_start3A_68, %dma_start3A_69] : memref<128x128xf32, #tpu.memory_space<vmem>> -> memref<128x128xf32, #tpu.memory_space<vmem>>
      tpu.enqueue_dma source(%dma_start3A_70 : memref<128x128xf32, #tpu.memory_space<vmem>>) target(%dma_start3A_67 : memref<128x128xf32, #tpu.memory_space<vmem_shared>>) target_semaphore(%run_scoped3A : memref<!tpu.dma_semaphore, #tpu.memory_space<semaphore_mem>>)
      %dma_wait3A = arith.constant 0 : i32
      %dma_wait3A_71 = arith.constant 0 : i32
      %dma_wait3A_72 = tpu.memref_slice %arg12[%dma_wait3A, %dma_wait3A_71] : memref<128x128xf32, #tpu.memory_space<vmem>> -> memref<128x128xf32, #tpu.memory_space<vmem>>
      %dma_wait3A_73 = arith.constant 0 : i32
      %dma_wait3A_74 = tpu.memref_slice %arg16[%add3A_9, %dma_wait3A_73] : memref<10112x128xf32, #tpu.memory_space<vmem_shared>> -> memref<128x128xf32, #tpu.memory_space<vmem_shared>>
      %dma_wait3A_75 = arith.constant 0 : i32
      %dma_wait3A_76 = tpu.memref_slice %arg16[%add3A_9, %dma_wait3A_75] : memref<10112x128xf32, #tpu.memory_space<vmem_shared>> -> memref<128x128xf32, #tpu.memory_space<vmem_shared>>
      %dma_wait3A_77 = arith.constant 0 : i32
      %dma_wait3A_78 = arith.constant 0 : i32
      %dma_wait3A_79 = tpu.memref_slice %arg12[%dma_wait3A_77, %dma_wait3A_78] : memref<128x128xf32, #tpu.memory_space<vmem>> -> memref<128x128xf32, #tpu.memory_space<vmem>>
      tpu.wait_dma2 semaphore(%run_scoped3A : memref<!tpu.dma_semaphore, #tpu.memory_space<semaphore_mem>>) src(%dma_wait3A_79 : memref<128x128xf32, #tpu.memory_space<vmem>>) dst(%dma_wait3A_76 : memref<128x128xf32, #tpu.memory_space<vmem_shared>>)
      tpu.yield
    }) : () -> ()
    %add3A_10 = arith.constant 512 : i32
    %add3A_11 = arith.addi %mul3A_0, %add3A_10 : i32
    "tpu.region"() ({
      %run_scoped3A = tpu.sem_alloc : memref<!tpu.dma_semaphore, #tpu.memory_space<semaphore_mem>>
      %dma_start3A = arith.constant 0 : i32
      %dma_start3A_62 = arith.constant 0 : i32
      %dma_start3A_63 = tpu.memref_slice %arg12[%dma_start3A, %dma_start3A_62] : memref<128x128xf32, #tpu.memory_space<vmem>> -> memref<120x128xf32, #tpu.memory_space<vmem>>
      %dma_start3A_64 = arith.constant 0 : i32
      %dma_start3A_65 = tpu.memref_slice %arg16[%add3A_11, %dma_start3A_64] : memref<10112x128xf32, #tpu.memory_space<vmem_shared>> -> memref<120x128xf32, #tpu.memory_space<vmem_shared>>
      %dma_start3A_66 = arith.constant 0 : i32
      %dma_start3A_67 = tpu.memref_slice %arg16[%add3A_11, %dma_start3A_66] : memref<10112x128xf32, #tpu.memory_space<vmem_shared>> -> memref<120x128xf32, #tpu.memory_space<vmem_shared>>
      %dma_start3A_68 = arith.constant 0 : i32
      %dma_start3A_69 = arith.constant 0 : i32
      %dma_start3A_70 = tpu.memref_slice %arg12[%dma_start3A_68, %dma_start3A_69] : memref<128x128xf32, #tpu.memory_space<vmem>> -> memref<120x128xf32, #tpu.memory_space<vmem>>
      tpu.enqueue_dma source(%dma_start3A_70 : memref<120x128xf32, #tpu.memory_space<vmem>>) target(%dma_start3A_67 : memref<120x128xf32, #tpu.memory_space<vmem_shared>>) target_semaphore(%run_scoped3A : memref<!tpu.dma_semaphore, #tpu.memory_space<semaphore_mem>>)
      %dma_wait3A = arith.constant 0 : i32
      %dma_wait3A_71 = arith.constant 0 : i32
      %dma_wait3A_72 = tpu.memref_slice %arg12[%dma_wait3A, %dma_wait3A_71] : memref<128x128xf32, #tpu.memory_space<vmem>> -> memref<120x128xf32, #tpu.memory_space<vmem>>
      %dma_wait3A_73 = arith.constant 0 : i32
      %dma_wait3A_74 = tpu.memref_slice %arg16[%add3A_11, %dma_wait3A_73] : memref<10112x128xf32, #tpu.memory_space<vmem_shared>> -> memref<120x128xf32, #tpu.memory_space<vmem_shared>>
      %dma_wait3A_75 = arith.constant 0 : i32
      %dma_wait3A_76 = tpu.memref_slice %arg16[%add3A_11, %dma_wait3A_75] : memref<10112x128xf32, #tpu.memory_space<vmem_shared>> -> memref<120x128xf32, #tpu.memory_space<vmem_shared>>
      %dma_wait3A_77 = arith.constant 0 : i32
      %dma_wait3A_78 = arith.constant 0 : i32
      %dma_wait3A_79 = tpu.memref_slice %arg12[%dma_wait3A_77, %dma_wait3A_78] : memref<128x128xf32, #tpu.memory_space<vmem>> -> memref<120x128xf32, #tpu.memory_space<vmem>>
      tpu.wait_dma2 semaphore(%run_scoped3A : memref<!tpu.dma_semaphore, #tpu.memory_space<semaphore_mem>>) src(%dma_wait3A_79 : memref<120x128xf32, #tpu.memory_space<vmem>>) dst(%dma_wait3A_76 : memref<120x128xf32, #tpu.memory_space<vmem_shared>>)
      tpu.yield
    }) : () -> ()
    "tpu.region"() ({
      %run_scoped3A = tpu.sem_alloc : memref<!tpu.dma_semaphore, #tpu.memory_space<semaphore_mem>>
      %dma_start3A = tpu.memref_slice %arg17[%mul3A_2] : memref<10240xf32, #tpu.memory_space<vmem_shared>> -> memref<640xf32, #tpu.memory_space<vmem_shared>>
      %dma_start3A_62 = tpu.memref_slice %arg17[%mul3A_2] : memref<10240xf32, #tpu.memory_space<vmem_shared>> -> memref<640xf32, #tpu.memory_space<vmem_shared>>
      tpu.enqueue_dma source(%arg14 : memref<640xf32, #tpu.memory_space<vmem>>) target(%dma_start3A_62 : memref<640xf32, #tpu.memory_space<vmem_shared>>) target_semaphore(%run_scoped3A : memref<!tpu.dma_semaphore, #tpu.memory_space<semaphore_mem>>)
      %dma_wait3A = tpu.memref_slice %arg17[%mul3A_2] : memref<10240xf32, #tpu.memory_space<vmem_shared>> -> memref<640xf32, #tpu.memory_space<vmem_shared>>
      %dma_wait3A_63 = tpu.memref_slice %arg17[%mul3A_2] : memref<10240xf32, #tpu.memory_space<vmem_shared>> -> memref<640xf32, #tpu.memory_space<vmem_shared>>
      tpu.wait_dma2 semaphore(%run_scoped3A : memref<!tpu.dma_semaphore, #tpu.memory_space<semaphore_mem>>) src(%arg14 : memref<640xf32, #tpu.memory_space<vmem>>) dst(%dma_wait3A_63 : memref<640xf32, #tpu.memory_space<vmem_shared>>)
      tpu.yield
    }) : () -> ()
    %barrier3A = arith.constant 0 : index
    tpu.barrier barrier_id(%barrier3A)
    %eq3A = arith.constant 0 : i32
    %eq3A_12 = arith.cmpi eq, %arg0, %eq3A : i32
    %mul3A_13 = arith.constant 152 : i32
    %mul3A_14 = arith.muli %arg1, %mul3A_13 : i32
    %mul3A_15 = arith.constant 8 : i32
    %mul3A_16 = arith.muli %arg1, %mul3A_15 : i32
    %add3A_17 = arith.constant 2432 : i32
    %add3A_18 = arith.addi %add3A_17, %mul3A_16 : i32
    %select_n3A = arith.select %eq3A_12, %mul3A_14, %add3A_18 : i32
    %eq3A_19 = arith.constant 0 : i32
    %eq3A_20 = arith.cmpi eq, %arg0, %eq3A_19 : i32
    %jit3A = arith.constant 19 : i32
    %jit3A_21 = arith.constant 1 : i32
    %select_n3A_22 = arith.select %eq3A_20, %jit3A, %jit3A_21 : i32
    %sub3A = arith.constant 0 : i32
    %sub3A_23 = arith.subi %select_n3A_22, %sub3A : i32
    %sub3A_24 = arith.constant 1 : i32
    %sub3A_25 = arith.constant 1 : i32
    %sub3A_26 = arith.subi %sub3A_24, %sub3A_25 : i32
    %add3A_27 = arith.addi %sub3A_23, %sub3A_26 : i32
    %div3A = arith.constant 1 : i32
    %div3A_28 = arith.divsi %add3A_27, %div3A : i32
    %while3A = arith.constant 1 : i32
    %while3A_29 = arith.constant 0 : i32
    %while3A_30 = arith.constant 0 : i32
    %while3A_31 = arith.subi %div3A_28, %while3A_30 : i32
    %while3A_32 = arith.addi %while3A_30, %while3A_31 : i32
    %while3A_33 = arith.constant 1 : i32
    %while3A_34 = arith.divsi %while3A_31, %while3A_33 : i32
    %while3A_35 = arith.muli %while3A_34, %while3A_33 : i32
    %while3A_36 = arith.addi %while3A_30, %while3A_35 : i32
    %while3A_37 = arith.constant 1 : i32
    scf.for %while3A_62 = %while3A_30 to %while3A_36 step %while3A_37  : i32 {
      %mul3A_63 = arith.muli %while3A_62, %while3A : i32
      %add3A_64 = arith.addi %while3A_29, %mul3A_63 : i32
      %gt3A_65 = arith.constant 0 : i32
      %gt3A_66 = arith.cmpi sgt, %add3A_64, %gt3A_65 : i32
      %convert_element_type3A_67 = arith.extui %gt3A_66 : i1 to i32
      %cond3A_68 = arith.constant 0 : i32
      %cond3A_69 = arith.cmpi ne, %convert_element_type3A_67, %cond3A_68 : i32
      scf.if %cond3A_69 {
        %dma_wait3A = arith.constant 0 : i32
        %dma_wait3A_80 = arith.constant 0 : i32
        %dma_wait3A_81 = tpu.memref_slice %arg11[%dma_wait3A, %dma_wait3A_80] : memref<8x128xi32, #tpu.memory_space<vmem>> -> memref<1x128xi32, #tpu.memory_space<vmem>>
        %dma_wait3A_82 = tpu.memref_squeeze %dma_wait3A_81 : memref<1x128xi32, #tpu.memory_space<vmem>> -> memref<128xi32, #tpu.memory_space<vmem>>
        %dma_wait3A_83 = arith.constant 0 : i32
        %dma_wait3A_84 = arith.constant 0 : i32
        %dma_wait3A_85 = tpu.memref_slice %arg16[%dma_wait3A_83, %dma_wait3A_84] : memref<10112x128xf32, #tpu.memory_space<vmem_shared>> -> memref<10112x128xf32, #tpu.memory_space<vmem_shared>>
        tpu.wait_indirect_dma semaphore(%arg20 : memref<!tpu.dma_semaphore, #tpu.memory_space<semaphore_mem>>) src(%arg12 : memref<128x128xf32, #tpu.memory_space<vmem>>) dst(%dma_wait3A_85 : memref<10112x128xf32, #tpu.memory_space<vmem_shared>>)
        %dma_wait3A_86 = arith.constant 1 : i32
        %dma_wait3A_87 = arith.constant 0 : i32
        %dma_wait3A_88 = tpu.memref_slice %arg11[%dma_wait3A_86, %dma_wait3A_87] : memref<8x128xi32, #tpu.memory_space<vmem>> -> memref<1x128xi32, #tpu.memory_space<vmem>>
        %dma_wait3A_89 = tpu.memref_squeeze %dma_wait3A_88 : memref<1x128xi32, #tpu.memory_space<vmem>> -> memref<128xi32, #tpu.memory_space<vmem>>
        %dma_wait3A_90 = arith.constant 0 : i32
        %dma_wait3A_91 = arith.constant 0 : i32
        %dma_wait3A_92 = tpu.memref_slice %arg16[%dma_wait3A_90, %dma_wait3A_91] : memref<10112x128xf32, #tpu.memory_space<vmem_shared>> -> memref<10112x128xf32, #tpu.memory_space<vmem_shared>>
        tpu.wait_indirect_dma semaphore(%arg21 : memref<!tpu.dma_semaphore, #tpu.memory_space<semaphore_mem>>) src(%arg13 : memref<128x128xf32, #tpu.memory_space<vmem>>) dst(%dma_wait3A_92 : memref<10112x128xf32, #tpu.memory_space<vmem_shared>>)
      } else {
      }
      %mul3A_70 = arith.constant 8 : i32
      %mul3A_71 = arith.muli %add3A_64, %mul3A_70 : i32
      %add3A_72 = arith.addi %select_n3A, %mul3A_71 : i32
      "tpu.region"() ({
        %run_scoped3A = tpu.sem_alloc : memref<!tpu.dma_semaphore, #tpu.memory_space<semaphore_mem>>
        %dma_start3A = arith.constant 0 : i32
        %dma_start3A_80 = tpu.memref_slice %arg3[%add3A_72, %dma_start3A] : memref<2560x128xi32, #tpu.memory_space<hbm>> -> memref<8x128xi32, #tpu.memory_space<hbm>>
        %dma_start3A_81 = arith.constant 0 : i32
        %dma_start3A_82 = tpu.memref_slice %arg3[%add3A_72, %dma_start3A_81] : memref<2560x128xi32, #tpu.memory_space<hbm>> -> memref<8x128xi32, #tpu.memory_space<hbm>>
        tpu.enqueue_dma source(%dma_start3A_82 : memref<8x128xi32, #tpu.memory_space<hbm>>) target(%arg10 : memref<8x128xi32, #tpu.memory_space<vmem>>) target_semaphore(%run_scoped3A : memref<!tpu.dma_semaphore, #tpu.memory_space<semaphore_mem>>)
        %dma_wait3A = arith.constant 0 : i32
        %dma_wait3A_83 = tpu.memref_slice %arg3[%add3A_72, %dma_wait3A] : memref<2560x128xi32, #tpu.memory_space<hbm>> -> memref<8x128xi32, #tpu.memory_space<hbm>>
        %dma_wait3A_84 = arith.constant 0 : i32
        %dma_wait3A_85 = tpu.memref_slice %arg3[%add3A_72, %dma_wait3A_84] : memref<2560x128xi32, #tpu.memory_space<hbm>> -> memref<8x128xi32, #tpu.memory_space<hbm>>
        tpu.wait_dma2 semaphore(%run_scoped3A : memref<!tpu.dma_semaphore, #tpu.memory_space<semaphore_mem>>) src(%dma_wait3A_85 : memref<8x128xi32, #tpu.memory_space<hbm>>) dst(%arg10 : memref<8x128xi32, #tpu.memory_space<vmem>>)
        tpu.yield
      }) : () -> ()
      %mul3A_73 = arith.constant 8 : i32
      %mul3A_74 = arith.muli %add3A_64, %mul3A_73 : i32
      %add3A_75 = arith.addi %select_n3A, %mul3A_74 : i32
      "tpu.region"() ({
        %run_scoped3A = tpu.sem_alloc : memref<!tpu.dma_semaphore, #tpu.memory_space<semaphore_mem>>
        %dma_start3A = arith.constant 0 : i32
        %dma_start3A_80 = tpu.memref_slice %arg4[%add3A_75, %dma_start3A] : memref<2560x128xi32, #tpu.memory_space<hbm>> -> memref<8x128xi32, #tpu.memory_space<hbm>>
        %dma_start3A_81 = arith.constant 0 : i32
        %dma_start3A_82 = tpu.memref_slice %arg4[%add3A_75, %dma_start3A_81] : memref<2560x128xi32, #tpu.memory_space<hbm>> -> memref<8x128xi32, #tpu.memory_space<hbm>>
        tpu.enqueue_dma source(%dma_start3A_82 : memref<8x128xi32, #tpu.memory_space<hbm>>) target(%arg11 : memref<8x128xi32, #tpu.memory_space<vmem>>) target_semaphore(%run_scoped3A : memref<!tpu.dma_semaphore, #tpu.memory_space<semaphore_mem>>)
        %dma_wait3A = arith.constant 0 : i32
        %dma_wait3A_83 = tpu.memref_slice %arg4[%add3A_75, %dma_wait3A] : memref<2560x128xi32, #tpu.memory_space<hbm>> -> memref<8x128xi32, #tpu.memory_space<hbm>>
        %dma_wait3A_84 = arith.constant 0 : i32
        %dma_wait3A_85 = tpu.memref_slice %arg4[%add3A_75, %dma_wait3A_84] : memref<2560x128xi32, #tpu.memory_space<hbm>> -> memref<8x128xi32, #tpu.memory_space<hbm>>
        tpu.wait_dma2 semaphore(%run_scoped3A : memref<!tpu.dma_semaphore, #tpu.memory_space<semaphore_mem>>) src(%dma_wait3A_85 : memref<8x128xi32, #tpu.memory_space<hbm>>) dst(%arg11 : memref<8x128xi32, #tpu.memory_space<vmem>>)
        tpu.yield
      }) : () -> ()
      %scan3A = arith.constant 0 : i32
      %scan3A_76 = arith.constant 4 : i32
      %scan3A_77 = arith.addi %scan3A, %scan3A_76 : i32
      %scan3A_78 = arith.constant 1 : i32
      scf.for %scan3A_80 = %scan3A to %scan3A_77 step %scan3A_78  : i32 {
        %mul3A_81 = arith.constant 1 : i32
        %mul3A_82 = arith.muli %scan3A_80, %mul3A_81 : i32
        %add3A_83 = arith.constant 0 : i32
        %add3A_84 = arith.addi %add3A_83, %mul3A_82 : i32
        %gt3A_85 = arith.constant 0 : i32
        %gt3A_86 = arith.cmpi sgt, %add3A_84, %gt3A_85 : i32
        %convert_element_type3A_87 = arith.extui %gt3A_86 : i1 to i32
        %cond3A_88 = arith.constant 0 : i32
        %cond3A_89 = arith.cmpi ne, %convert_element_type3A_87, %cond3A_88 : i32
        scf.if %cond3A_89 {
          %dma_wait3A_128 = arith.constant 0 : i32
          %dma_wait3A_129 = arith.constant 0 : i32
          %dma_wait3A_130 = tpu.memref_slice %arg11[%dma_wait3A_128, %dma_wait3A_129] : memref<8x128xi32, #tpu.memory_space<vmem>> -> memref<1x128xi32, #tpu.memory_space<vmem>>
          %dma_wait3A_131 = tpu.memref_squeeze %dma_wait3A_130 : memref<1x128xi32, #tpu.memory_space<vmem>> -> memref<128xi32, #tpu.memory_space<vmem>>
          %dma_wait3A_132 = arith.constant 0 : i32
          %dma_wait3A_133 = arith.constant 0 : i32
          %dma_wait3A_134 = tpu.memref_slice %arg16[%dma_wait3A_132, %dma_wait3A_133] : memref<10112x128xf32, #tpu.memory_space<vmem_shared>> -> memref<10112x128xf32, #tpu.memory_space<vmem_shared>>
          tpu.wait_indirect_dma semaphore(%arg20 : memref<!tpu.dma_semaphore, #tpu.memory_space<semaphore_mem>>) src(%arg12 : memref<128x128xf32, #tpu.memory_space<vmem>>) dst(%dma_wait3A_134 : memref<10112x128xf32, #tpu.memory_space<vmem_shared>>)
          %dma_wait3A_135 = arith.constant 1 : i32
          %dma_wait3A_136 = arith.constant 0 : i32
          %dma_wait3A_137 = tpu.memref_slice %arg11[%dma_wait3A_135, %dma_wait3A_136] : memref<8x128xi32, #tpu.memory_space<vmem>> -> memref<1x128xi32, #tpu.memory_space<vmem>>
          %dma_wait3A_138 = tpu.memref_squeeze %dma_wait3A_137 : memref<1x128xi32, #tpu.memory_space<vmem>> -> memref<128xi32, #tpu.memory_space<vmem>>
          %dma_wait3A_139 = arith.constant 0 : i32
          %dma_wait3A_140 = arith.constant 0 : i32
          %dma_wait3A_141 = tpu.memref_slice %arg16[%dma_wait3A_139, %dma_wait3A_140] : memref<10112x128xf32, #tpu.memory_space<vmem_shared>> -> memref<10112x128xf32, #tpu.memory_space<vmem_shared>>
          tpu.wait_indirect_dma semaphore(%arg21 : memref<!tpu.dma_semaphore, #tpu.memory_space<semaphore_mem>>) src(%arg13 : memref<128x128xf32, #tpu.memory_space<vmem>>) dst(%dma_wait3A_141 : memref<10112x128xf32, #tpu.memory_space<vmem_shared>>)
        } else {
        }
        %mul3A_90 = arith.constant 2 : i32
        %mul3A_91 = arith.muli %add3A_84, %mul3A_90 : i32
        %add3A_92 = arith.constant 1 : i32
        %add3A_93 = arith.addi %mul3A_91, %add3A_92 : i32
        %dma_start3A = arith.constant 0 : i32
        %dma_start3A_94 = tpu.memref_slice %arg10[%mul3A_91, %dma_start3A] : memref<8x128xi32, #tpu.memory_space<vmem>> -> memref<1x128xi32, #tpu.memory_space<vmem>>
        %dma_start3A_95 = tpu.memref_squeeze %dma_start3A_94 : memref<1x128xi32, #tpu.memory_space<vmem>> -> memref<128xi32, #tpu.memory_space<vmem>>
        %dma_start3A_96 = arith.constant 0 : i32
        %dma_start3A_97 = arith.constant 0 : i32
        %dma_start3A_98 = tpu.memref_slice %arg2[%dma_start3A_96, %dma_start3A_97] : memref<10000x128xf32, #tpu.memory_space<hbm>> -> memref<10000x128xf32, #tpu.memory_space<hbm>>
        tpu.enqueue_indirect_dma source(%dma_start3A_98 : memref<10000x128xf32, #tpu.memory_space<hbm>>) target(%arg12 : memref<128x128xf32, #tpu.memory_space<vmem>>) offsets(%dma_start3A_95 : memref<128xi32, #tpu.memory_space<vmem>>) semaphore(%arg18 : memref<!tpu.dma_semaphore, #tpu.memory_space<semaphore_mem>>)
        %dma_start3A_99 = arith.constant 0 : i32
        %dma_start3A_100 = tpu.memref_slice %arg10[%add3A_93, %dma_start3A_99] : memref<8x128xi32, #tpu.memory_space<vmem>> -> memref<1x128xi32, #tpu.memory_space<vmem>>
        %dma_start3A_101 = tpu.memref_squeeze %dma_start3A_100 : memref<1x128xi32, #tpu.memory_space<vmem>> -> memref<128xi32, #tpu.memory_space<vmem>>
        %dma_start3A_102 = arith.constant 0 : i32
        %dma_start3A_103 = arith.constant 0 : i32
        %dma_start3A_104 = tpu.memref_slice %arg2[%dma_start3A_102, %dma_start3A_103] : memref<10000x128xf32, #tpu.memory_space<hbm>> -> memref<10000x128xf32, #tpu.memory_space<hbm>>
        tpu.enqueue_indirect_dma source(%dma_start3A_104 : memref<10000x128xf32, #tpu.memory_space<hbm>>) target(%arg13 : memref<128x128xf32, #tpu.memory_space<vmem>>) offsets(%dma_start3A_101 : memref<128xi32, #tpu.memory_space<vmem>>) semaphore(%arg19 : memref<!tpu.dma_semaphore, #tpu.memory_space<semaphore_mem>>)
        "tpu.region"() ({
          %run_scoped3A = tpu.sem_alloc : memref<!tpu.dma_semaphore, #tpu.memory_space<semaphore_mem>>
          %dma_start3A_128 = arith.constant 0 : i32
          %dma_start3A_129 = tpu.memref_slice %arg11[%mul3A_91, %dma_start3A_128] : memref<8x128xi32, #tpu.memory_space<vmem>> -> memref<1x128xi32, #tpu.memory_space<vmem>>
          %dma_start3A_130 = tpu.memref_squeeze %dma_start3A_129 : memref<1x128xi32, #tpu.memory_space<vmem>> -> memref<128xi32, #tpu.memory_space<vmem>>
          %dma_start3A_131 = arith.constant 0 : i32
          %dma_start3A_132 = tpu.memref_slice %arg17[%dma_start3A_131] : memref<10240xf32, #tpu.memory_space<vmem_shared>> -> memref<10240xf32, #tpu.memory_space<vmem_shared>>
          tpu.enqueue_indirect_dma source(%arg15 : memref<128xf32, #tpu.memory_space<vmem>>) target(%dma_start3A_132 : memref<10240xf32, #tpu.memory_space<vmem_shared>>) offsets(%dma_start3A_130 : memref<128xi32, #tpu.memory_space<vmem>>) semaphore(%run_scoped3A : memref<!tpu.dma_semaphore, #tpu.memory_space<semaphore_mem>>) {add = true}
          %dma_wait3A_133 = arith.constant 0 : i32
          %dma_wait3A_134 = tpu.memref_slice %arg11[%mul3A_91, %dma_wait3A_133] : memref<8x128xi32, #tpu.memory_space<vmem>> -> memref<1x128xi32, #tpu.memory_space<vmem>>
          %dma_wait3A_135 = tpu.memref_squeeze %dma_wait3A_134 : memref<1x128xi32, #tpu.memory_space<vmem>> -> memref<128xi32, #tpu.memory_space<vmem>>
          %dma_wait3A_136 = arith.constant 0 : i32
          %dma_wait3A_137 = tpu.memref_slice %arg17[%dma_wait3A_136] : memref<10240xf32, #tpu.memory_space<vmem_shared>> -> memref<10240xf32, #tpu.memory_space<vmem_shared>>
          tpu.wait_indirect_dma semaphore(%run_scoped3A : memref<!tpu.dma_semaphore, #tpu.memory_space<semaphore_mem>>) src(%arg15 : memref<128xf32, #tpu.memory_space<vmem>>) dst(%dma_wait3A_137 : memref<10240xf32, #tpu.memory_space<vmem_shared>>)
          tpu.yield
        }) : () -> ()
        "tpu.region"() ({
          %run_scoped3A = tpu.sem_alloc : memref<!tpu.dma_semaphore, #tpu.memory_space<semaphore_mem>>
          %dma_start3A_128 = arith.constant 0 : i32
          %dma_start3A_129 = tpu.memref_slice %arg11[%add3A_93, %dma_start3A_128] : memref<8x128xi32, #tpu.memory_space<vmem>> -> memref<1x128xi32, #tpu.memory_space<vmem>>
          %dma_start3A_130 = tpu.memref_squeeze %dma_start3A_129 : memref<1x128xi32, #tpu.memory_space<vmem>> -> memref<128xi32, #tpu.memory_space<vmem>>
          %dma_start3A_131 = arith.constant 0 : i32
          %dma_start3A_132 = tpu.memref_slice %arg17[%dma_start3A_131] : memref<10240xf32, #tpu.memory_space<vmem_shared>> -> memref<10240xf32, #tpu.memory_space<vmem_shared>>
          tpu.enqueue_indirect_dma source(%arg15 : memref<128xf32, #tpu.memory_space<vmem>>) target(%dma_start3A_132 : memref<10240xf32, #tpu.memory_space<vmem_shared>>) offsets(%dma_start3A_130 : memref<128xi32, #tpu.memory_space<vmem>>) semaphore(%run_scoped3A : memref<!tpu.dma_semaphore, #tpu.memory_space<semaphore_mem>>) {add = true}
          %dma_wait3A_133 = arith.constant 0 : i32
          %dma_wait3A_134 = tpu.memref_slice %arg11[%add3A_93, %dma_wait3A_133] : memref<8x128xi32, #tpu.memory_space<vmem>> -> memref<1x128xi32, #tpu.memory_space<vmem>>
          %dma_wait3A_135 = tpu.memref_squeeze %dma_wait3A_134 : memref<1x128xi32, #tpu.memory_space<vmem>> -> memref<128xi32, #tpu.memory_space<vmem>>
          %dma_wait3A_136 = arith.constant 0 : i32
          %dma_wait3A_137 = tpu.memref_slice %arg17[%dma_wait3A_136] : memref<10240xf32, #tpu.memory_space<vmem_shared>> -> memref<10240xf32, #tpu.memory_space<vmem_shared>>
          tpu.wait_indirect_dma semaphore(%run_scoped3A : memref<!tpu.dma_semaphore, #tpu.memory_space<semaphore_mem>>) src(%arg15 : memref<128xf32, #tpu.memory_space<vmem>>) dst(%dma_wait3A_137 : memref<10240xf32, #tpu.memory_space<vmem_shared>>)
          tpu.yield
        }) : () -> ()
        %dma_wait3A = arith.constant 0 : i32
        %dma_wait3A_105 = tpu.memref_slice %arg10[%mul3A_91, %dma_wait3A] : memref<8x128xi32, #tpu.memory_space<vmem>> -> memref<1x128xi32, #tpu.memory_space<vmem>>
        %dma_wait3A_106 = tpu.memref_squeeze %dma_wait3A_105 : memref<1x128xi32, #tpu.memory_space<vmem>> -> memref<128xi32, #tpu.memory_space<vmem>>
        %dma_wait3A_107 = arith.constant 0 : i32
        %dma_wait3A_108 = arith.constant 0 : i32
        %dma_wait3A_109 = tpu.memref_slice %arg2[%dma_wait3A_107, %dma_wait3A_108] : memref<10000x128xf32, #tpu.memory_space<hbm>> -> memref<10000x128xf32, #tpu.memory_space<hbm>>
        tpu.wait_indirect_dma semaphore(%arg18 : memref<!tpu.dma_semaphore, #tpu.memory_space<semaphore_mem>>) src(%dma_wait3A_109 : memref<10000x128xf32, #tpu.memory_space<hbm>>) dst(%arg12 : memref<128x128xf32, #tpu.memory_space<vmem>>)
        %dma_start3A_110 = arith.constant 0 : i32
        %dma_start3A_111 = tpu.memref_slice %arg11[%mul3A_91, %dma_start3A_110] : memref<8x128xi32, #tpu.memory_space<vmem>> -> memref<1x128xi32, #tpu.memory_space<vmem>>
        %dma_start3A_112 = tpu.memref_squeeze %dma_start3A_111 : memref<1x128xi32, #tpu.memory_space<vmem>> -> memref<128xi32, #tpu.memory_space<vmem>>
        %dma_start3A_113 = arith.constant 0 : i32
        %dma_start3A_114 = arith.constant 0 : i32
        %dma_start3A_115 = tpu.memref_slice %arg16[%dma_start3A_113, %dma_start3A_114] : memref<10112x128xf32, #tpu.memory_space<vmem_shared>> -> memref<10112x128xf32, #tpu.memory_space<vmem_shared>>
        tpu.enqueue_indirect_dma source(%arg12 : memref<128x128xf32, #tpu.memory_space<vmem>>) target(%dma_start3A_115 : memref<10112x128xf32, #tpu.memory_space<vmem_shared>>) offsets(%dma_start3A_112 : memref<128xi32, #tpu.memory_space<vmem>>) semaphore(%arg20 : memref<!tpu.dma_semaphore, #tpu.memory_space<semaphore_mem>>) {add = true}
        %dma_wait3A_116 = arith.constant 0 : i32
        %dma_wait3A_117 = tpu.memref_slice %arg10[%add3A_93, %dma_wait3A_116] : memref<8x128xi32, #tpu.memory_space<vmem>> -> memref<1x128xi32, #tpu.memory_space<vmem>>
        %dma_wait3A_118 = tpu.memref_squeeze %dma_wait3A_117 : memref<1x128xi32, #tpu.memory_space<vmem>> -> memref<128xi32, #tpu.memory_space<vmem>>
        %dma_wait3A_119 = arith.constant 0 : i32
        %dma_wait3A_120 = arith.constant 0 : i32
        %dma_wait3A_121 = tpu.memref_slice %arg2[%dma_wait3A_119, %dma_wait3A_120] : memref<10000x128xf32, #tpu.memory_space<hbm>> -> memref<10000x128xf32, #tpu.memory_space<hbm>>
        tpu.wait_indirect_dma semaphore(%arg19 : memref<!tpu.dma_semaphore, #tpu.memory_space<semaphore_mem>>) src(%dma_wait3A_121 : memref<10000x128xf32, #tpu.memory_space<hbm>>) dst(%arg13 : memref<128x128xf32, #tpu.memory_space<vmem>>)
        %dma_start3A_122 = arith.constant 0 : i32
        %dma_start3A_123 = tpu.memref_slice %arg11[%add3A_93, %dma_start3A_122] : memref<8x128xi32, #tpu.memory_space<vmem>> -> memref<1x128xi32, #tpu.memory_space<vmem>>
        %dma_start3A_124 = tpu.memref_squeeze %dma_start3A_123 : memref<1x128xi32, #tpu.memory_space<vmem>> -> memref<128xi32, #tpu.memory_space<vmem>>
        %dma_start3A_125 = arith.constant 0 : i32
        %dma_start3A_126 = arith.constant 0 : i32
        %dma_start3A_127 = tpu.memref_slice %arg16[%dma_start3A_125, %dma_start3A_126] : memref<10112x128xf32, #tpu.memory_space<vmem_shared>> -> memref<10112x128xf32, #tpu.memory_space<vmem_shared>>
        tpu.enqueue_indirect_dma source(%arg13 : memref<128x128xf32, #tpu.memory_space<vmem>>) target(%dma_start3A_127 : memref<10112x128xf32, #tpu.memory_space<vmem_shared>>) offsets(%dma_start3A_124 : memref<128xi32, #tpu.memory_space<vmem>>) semaphore(%arg21 : memref<!tpu.dma_semaphore, #tpu.memory_space<semaphore_mem>>) {add = true}
      }
      %scan3A_79 = arith.constant 4 : i32
    }
    %while3A_38 = arith.constant 1 : i32
    scf.for %while3A_62 = %while3A_36 to %while3A_32 step %while3A_38  : i32 {
      %mul3A_63 = arith.muli %while3A_62, %while3A : i32
      %add3A_64 = arith.addi %while3A_29, %mul3A_63 : i32
      %gt3A_65 = arith.constant 0 : i32
      %gt3A_66 = arith.cmpi sgt, %add3A_64, %gt3A_65 : i32
      %convert_element_type3A_67 = arith.extui %gt3A_66 : i1 to i32
      %cond3A_68 = arith.constant 0 : i32
      %cond3A_69 = arith.cmpi ne, %convert_element_type3A_67, %cond3A_68 : i32
      scf.if %cond3A_69 {
        %dma_wait3A = arith.constant 0 : i32
        %dma_wait3A_80 = arith.constant 0 : i32
        %dma_wait3A_81 = tpu.memref_slice %arg11[%dma_wait3A, %dma_wait3A_80] : memref<8x128xi32, #tpu.memory_space<vmem>> -> memref<1x128xi32, #tpu.memory_space<vmem>>
        %dma_wait3A_82 = tpu.memref_squeeze %dma_wait3A_81 : memref<1x128xi32, #tpu.memory_space<vmem>> -> memref<128xi32, #tpu.memory_space<vmem>>
        %dma_wait3A_83 = arith.constant 0 : i32
        %dma_wait3A_84 = arith.constant 0 : i32
        %dma_wait3A_85 = tpu.memref_slice %arg16[%dma_wait3A_83, %dma_wait3A_84] : memref<10112x128xf32, #tpu.memory_space<vmem_shared>> -> memref<10112x128xf32, #tpu.memory_space<vmem_shared>>
        tpu.wait_indirect_dma semaphore(%arg20 : memref<!tpu.dma_semaphore, #tpu.memory_space<semaphore_mem>>) src(%arg12 : memref<128x128xf32, #tpu.memory_space<vmem>>) dst(%dma_wait3A_85 : memref<10112x128xf32, #tpu.memory_space<vmem_shared>>)
        %dma_wait3A_86 = arith.constant 1 : i32
        %dma_wait3A_87 = arith.constant 0 : i32
        %dma_wait3A_88 = tpu.memref_slice %arg11[%dma_wait3A_86, %dma_wait3A_87] : memref<8x128xi32, #tpu.memory_space<vmem>> -> memref<1x128xi32, #tpu.memory_space<vmem>>
        %dma_wait3A_89 = tpu.memref_squeeze %dma_wait3A_88 : memref<1x128xi32, #tpu.memory_space<vmem>> -> memref<128xi32, #tpu.memory_space<vmem>>
        %dma_wait3A_90 = arith.constant 0 : i32
        %dma_wait3A_91 = arith.constant 0 : i32
        %dma_wait3A_92 = tpu.memref_slice %arg16[%dma_wait3A_90, %dma_wait3A_91] : memref<10112x128xf32, #tpu.memory_space<vmem_shared>> -> memref<10112x128xf32, #tpu.memory_space<vmem_shared>>
        tpu.wait_indirect_dma semaphore(%arg21 : memref<!tpu.dma_semaphore, #tpu.memory_space<semaphore_mem>>) src(%arg13 : memref<128x128xf32, #tpu.memory_space<vmem>>) dst(%dma_wait3A_92 : memref<10112x128xf32, #tpu.memory_space<vmem_shared>>)
      } else {
      }
      %mul3A_70 = arith.constant 8 : i32
      %mul3A_71 = arith.muli %add3A_64, %mul3A_70 : i32
      %add3A_72 = arith.addi %select_n3A, %mul3A_71 : i32
      "tpu.region"() ({
        %run_scoped3A = tpu.sem_alloc : memref<!tpu.dma_semaphore, #tpu.memory_space<semaphore_mem>>
        %dma_start3A = arith.constant 0 : i32
        %dma_start3A_80 = tpu.memref_slice %arg3[%add3A_72, %dma_start3A] : memref<2560x128xi32, #tpu.memory_space<hbm>> -> memref<8x128xi32, #tpu.memory_space<hbm>>
        %dma_start3A_81 = arith.constant 0 : i32
        %dma_start3A_82 = tpu.memref_slice %arg3[%add3A_72, %dma_start3A_81] : memref<2560x128xi32, #tpu.memory_space<hbm>> -> memref<8x128xi32, #tpu.memory_space<hbm>>
        tpu.enqueue_dma source(%dma_start3A_82 : memref<8x128xi32, #tpu.memory_space<hbm>>) target(%arg10 : memref<8x128xi32, #tpu.memory_space<vmem>>) target_semaphore(%run_scoped3A : memref<!tpu.dma_semaphore, #tpu.memory_space<semaphore_mem>>)
        %dma_wait3A = arith.constant 0 : i32
        %dma_wait3A_83 = tpu.memref_slice %arg3[%add3A_72, %dma_wait3A] : memref<2560x128xi32, #tpu.memory_space<hbm>> -> memref<8x128xi32, #tpu.memory_space<hbm>>
        %dma_wait3A_84 = arith.constant 0 : i32
        %dma_wait3A_85 = tpu.memref_slice %arg3[%add3A_72, %dma_wait3A_84] : memref<2560x128xi32, #tpu.memory_space<hbm>> -> memref<8x128xi32, #tpu.memory_space<hbm>>
        tpu.wait_dma2 semaphore(%run_scoped3A : memref<!tpu.dma_semaphore, #tpu.memory_space<semaphore_mem>>) src(%dma_wait3A_85 : memref<8x128xi32, #tpu.memory_space<hbm>>) dst(%arg10 : memref<8x128xi32, #tpu.memory_space<vmem>>)
        tpu.yield
      }) : () -> ()
      %mul3A_73 = arith.constant 8 : i32
      %mul3A_74 = arith.muli %add3A_64, %mul3A_73 : i32
      %add3A_75 = arith.addi %select_n3A, %mul3A_74 : i32
      "tpu.region"() ({
        %run_scoped3A = tpu.sem_alloc : memref<!tpu.dma_semaphore, #tpu.memory_space<semaphore_mem>>
        %dma_start3A = arith.constant 0 : i32
        %dma_start3A_80 = tpu.memref_slice %arg4[%add3A_75, %dma_start3A] : memref<2560x128xi32, #tpu.memory_space<hbm>> -> memref<8x128xi32, #tpu.memory_space<hbm>>
        %dma_start3A_81 = arith.constant 0 : i32
        %dma_start3A_82 = tpu.memref_slice %arg4[%add3A_75, %dma_start3A_81] : memref<2560x128xi32, #tpu.memory_space<hbm>> -> memref<8x128xi32, #tpu.memory_space<hbm>>
        tpu.enqueue_dma source(%dma_start3A_82 : memref<8x128xi32, #tpu.memory_space<hbm>>) target(%arg11 : memref<8x128xi32, #tpu.memory_space<vmem>>) target_semaphore(%run_scoped3A : memref<!tpu.dma_semaphore, #tpu.memory_space<semaphore_mem>>)
        %dma_wait3A = arith.constant 0 : i32
        %dma_wait3A_83 = tpu.memref_slice %arg4[%add3A_75, %dma_wait3A] : memref<2560x128xi32, #tpu.memory_space<hbm>> -> memref<8x128xi32, #tpu.memory_space<hbm>>
        %dma_wait3A_84 = arith.constant 0 : i32
        %dma_wait3A_85 = tpu.memref_slice %arg4[%add3A_75, %dma_wait3A_84] : memref<2560x128xi32, #tpu.memory_space<hbm>> -> memref<8x128xi32, #tpu.memory_space<hbm>>
        tpu.wait_dma2 semaphore(%run_scoped3A : memref<!tpu.dma_semaphore, #tpu.memory_space<semaphore_mem>>) src(%dma_wait3A_85 : memref<8x128xi32, #tpu.memory_space<hbm>>) dst(%arg11 : memref<8x128xi32, #tpu.memory_space<vmem>>)
        tpu.yield
      }) : () -> ()
      %scan3A = arith.constant 0 : i32
      %scan3A_76 = arith.constant 4 : i32
      %scan3A_77 = arith.addi %scan3A, %scan3A_76 : i32
      %scan3A_78 = arith.constant 1 : i32
      scf.for %scan3A_80 = %scan3A to %scan3A_77 step %scan3A_78  : i32 {
        %mul3A_81 = arith.constant 1 : i32
        %mul3A_82 = arith.muli %scan3A_80, %mul3A_81 : i32
        %add3A_83 = arith.constant 0 : i32
        %add3A_84 = arith.addi %add3A_83, %mul3A_82 : i32
        %gt3A_85 = arith.constant 0 : i32
        %gt3A_86 = arith.cmpi sgt, %add3A_84, %gt3A_85 : i32
        %convert_element_type3A_87 = arith.extui %gt3A_86 : i1 to i32
        %cond3A_88 = arith.constant 0 : i32
        %cond3A_89 = arith.cmpi ne, %convert_element_type3A_87, %cond3A_88 : i32
        scf.if %cond3A_89 {
          %dma_wait3A_128 = arith.constant 0 : i32
          %dma_wait3A_129 = arith.constant 0 : i32
          %dma_wait3A_130 = tpu.memref_slice %arg11[%dma_wait3A_128, %dma_wait3A_129] : memref<8x128xi32, #tpu.memory_space<vmem>> -> memref<1x128xi32, #tpu.memory_space<vmem>>
          %dma_wait3A_131 = tpu.memref_squeeze %dma_wait3A_130 : memref<1x128xi32, #tpu.memory_space<vmem>> -> memref<128xi32, #tpu.memory_space<vmem>>
          %dma_wait3A_132 = arith.constant 0 : i32
          %dma_wait3A_133 = arith.constant 0 : i32
          %dma_wait3A_134 = tpu.memref_slice %arg16[%dma_wait3A_132, %dma_wait3A_133] : memref<10112x128xf32, #tpu.memory_space<vmem_shared>> -> memref<10112x128xf32, #tpu.memory_space<vmem_shared>>
          tpu.wait_indirect_dma semaphore(%arg20 : memref<!tpu.dma_semaphore, #tpu.memory_space<semaphore_mem>>) src(%arg12 : memref<128x128xf32, #tpu.memory_space<vmem>>) dst(%dma_wait3A_134 : memref<10112x128xf32, #tpu.memory_space<vmem_shared>>)
          %dma_wait3A_135 = arith.constant 1 : i32
          %dma_wait3A_136 = arith.constant 0 : i32
          %dma_wait3A_137 = tpu.memref_slice %arg11[%dma_wait3A_135, %dma_wait3A_136] : memref<8x128xi32, #tpu.memory_space<vmem>> -> memref<1x128xi32, #tpu.memory_space<vmem>>
          %dma_wait3A_138 = tpu.memref_squeeze %dma_wait3A_137 : memref<1x128xi32, #tpu.memory_space<vmem>> -> memref<128xi32, #tpu.memory_space<vmem>>
          %dma_wait3A_139 = arith.constant 0 : i32
          %dma_wait3A_140 = arith.constant 0 : i32
          %dma_wait3A_141 = tpu.memref_slice %arg16[%dma_wait3A_139, %dma_wait3A_140] : memref<10112x128xf32, #tpu.memory_space<vmem_shared>> -> memref<10112x128xf32, #tpu.memory_space<vmem_shared>>
          tpu.wait_indirect_dma semaphore(%arg21 : memref<!tpu.dma_semaphore, #tpu.memory_space<semaphore_mem>>) src(%arg13 : memref<128x128xf32, #tpu.memory_space<vmem>>) dst(%dma_wait3A_141 : memref<10112x128xf32, #tpu.memory_space<vmem_shared>>)
        } else {
        }
        %mul3A_90 = arith.constant 2 : i32
        %mul3A_91 = arith.muli %add3A_84, %mul3A_90 : i32
        %add3A_92 = arith.constant 1 : i32
        %add3A_93 = arith.addi %mul3A_91, %add3A_92 : i32
        %dma_start3A = arith.constant 0 : i32
        %dma_start3A_94 = tpu.memref_slice %arg10[%mul3A_91, %dma_start3A] : memref<8x128xi32, #tpu.memory_space<vmem>> -> memref<1x128xi32, #tpu.memory_space<vmem>>
        %dma_start3A_95 = tpu.memref_squeeze %dma_start3A_94 : memref<1x128xi32, #tpu.memory_space<vmem>> -> memref<128xi32, #tpu.memory_space<vmem>>
        %dma_start3A_96 = arith.constant 0 : i32
        %dma_start3A_97 = arith.constant 0 : i32
        %dma_start3A_98 = tpu.memref_slice %arg2[%dma_start3A_96, %dma_start3A_97] : memref<10000x128xf32, #tpu.memory_space<hbm>> -> memref<10000x128xf32, #tpu.memory_space<hbm>>
        tpu.enqueue_indirect_dma source(%dma_start3A_98 : memref<10000x128xf32, #tpu.memory_space<hbm>>) target(%arg12 : memref<128x128xf32, #tpu.memory_space<vmem>>) offsets(%dma_start3A_95 : memref<128xi32, #tpu.memory_space<vmem>>) semaphore(%arg18 : memref<!tpu.dma_semaphore, #tpu.memory_space<semaphore_mem>>)
        %dma_start3A_99 = arith.constant 0 : i32
        %dma_start3A_100 = tpu.memref_slice %arg10[%add3A_93, %dma_start3A_99] : memref<8x128xi32, #tpu.memory_space<vmem>> -> memref<1x128xi32, #tpu.memory_space<vmem>>
        %dma_start3A_101 = tpu.memref_squeeze %dma_start3A_100 : memref<1x128xi32, #tpu.memory_space<vmem>> -> memref<128xi32, #tpu.memory_space<vmem>>
        %dma_start3A_102 = arith.constant 0 : i32
        %dma_start3A_103 = arith.constant 0 : i32
        %dma_start3A_104 = tpu.memref_slice %arg2[%dma_start3A_102, %dma_start3A_103] : memref<10000x128xf32, #tpu.memory_space<hbm>> -> memref<10000x128xf32, #tpu.memory_space<hbm>>
        tpu.enqueue_indirect_dma source(%dma_start3A_104 : memref<10000x128xf32, #tpu.memory_space<hbm>>) target(%arg13 : memref<128x128xf32, #tpu.memory_space<vmem>>) offsets(%dma_start3A_101 : memref<128xi32, #tpu.memory_space<vmem>>) semaphore(%arg19 : memref<!tpu.dma_semaphore, #tpu.memory_space<semaphore_mem>>)
        "tpu.region"() ({
          %run_scoped3A = tpu.sem_alloc : memref<!tpu.dma_semaphore, #tpu.memory_space<semaphore_mem>>
          %dma_start3A_128 = arith.constant 0 : i32
          %dma_start3A_129 = tpu.memref_slice %arg11[%mul3A_91, %dma_start3A_128] : memref<8x128xi32, #tpu.memory_space<vmem>> -> memref<1x128xi32, #tpu.memory_space<vmem>>
          %dma_start3A_130 = tpu.memref_squeeze %dma_start3A_129 : memref<1x128xi32, #tpu.memory_space<vmem>> -> memref<128xi32, #tpu.memory_space<vmem>>
          %dma_start3A_131 = arith.constant 0 : i32
          %dma_start3A_132 = tpu.memref_slice %arg17[%dma_start3A_131] : memref<10240xf32, #tpu.memory_space<vmem_shared>> -> memref<10240xf32, #tpu.memory_space<vmem_shared>>
          tpu.enqueue_indirect_dma source(%arg15 : memref<128xf32, #tpu.memory_space<vmem>>) target(%dma_start3A_132 : memref<10240xf32, #tpu.memory_space<vmem_shared>>) offsets(%dma_start3A_130 : memref<128xi32, #tpu.memory_space<vmem>>) semaphore(%run_scoped3A : memref<!tpu.dma_semaphore, #tpu.memory_space<semaphore_mem>>) {add = true}
          %dma_wait3A_133 = arith.constant 0 : i32
          %dma_wait3A_134 = tpu.memref_slice %arg11[%mul3A_91, %dma_wait3A_133] : memref<8x128xi32, #tpu.memory_space<vmem>> -> memref<1x128xi32, #tpu.memory_space<vmem>>
          %dma_wait3A_135 = tpu.memref_squeeze %dma_wait3A_134 : memref<1x128xi32, #tpu.memory_space<vmem>> -> memref<128xi32, #tpu.memory_space<vmem>>
          %dma_wait3A_136 = arith.constant 0 : i32
          %dma_wait3A_137 = tpu.memref_slice %arg17[%dma_wait3A_136] : memref<10240xf32, #tpu.memory_space<vmem_shared>> -> memref<10240xf32, #tpu.memory_space<vmem_shared>>
          tpu.wait_indirect_dma semaphore(%run_scoped3A : memref<!tpu.dma_semaphore, #tpu.memory_space<semaphore_mem>>) src(%arg15 : memref<128xf32, #tpu.memory_space<vmem>>) dst(%dma_wait3A_137 : memref<10240xf32, #tpu.memory_space<vmem_shared>>)
          tpu.yield
        }) : () -> ()
        "tpu.region"() ({
          %run_scoped3A = tpu.sem_alloc : memref<!tpu.dma_semaphore, #tpu.memory_space<semaphore_mem>>
          %dma_start3A_128 = arith.constant 0 : i32
          %dma_start3A_129 = tpu.memref_slice %arg11[%add3A_93, %dma_start3A_128] : memref<8x128xi32, #tpu.memory_space<vmem>> -> memref<1x128xi32, #tpu.memory_space<vmem>>
          %dma_start3A_130 = tpu.memref_squeeze %dma_start3A_129 : memref<1x128xi32, #tpu.memory_space<vmem>> -> memref<128xi32, #tpu.memory_space<vmem>>
          %dma_start3A_131 = arith.constant 0 : i32
          %dma_start3A_132 = tpu.memref_slice %arg17[%dma_start3A_131] : memref<10240xf32, #tpu.memory_space<vmem_shared>> -> memref<10240xf32, #tpu.memory_space<vmem_shared>>
          tpu.enqueue_indirect_dma source(%arg15 : memref<128xf32, #tpu.memory_space<vmem>>) target(%dma_start3A_132 : memref<10240xf32, #tpu.memory_space<vmem_shared>>) offsets(%dma_start3A_130 : memref<128xi32, #tpu.memory_space<vmem>>) semaphore(%run_scoped3A : memref<!tpu.dma_semaphore, #tpu.memory_space<semaphore_mem>>) {add = true}
          %dma_wait3A_133 = arith.constant 0 : i32
          %dma_wait3A_134 = tpu.memref_slice %arg11[%add3A_93, %dma_wait3A_133] : memref<8x128xi32, #tpu.memory_space<vmem>> -> memref<1x128xi32, #tpu.memory_space<vmem>>
          %dma_wait3A_135 = tpu.memref_squeeze %dma_wait3A_134 : memref<1x128xi32, #tpu.memory_space<vmem>> -> memref<128xi32, #tpu.memory_space<vmem>>
          %dma_wait3A_136 = arith.constant 0 : i32
          %dma_wait3A_137 = tpu.memref_slice %arg17[%dma_wait3A_136] : memref<10240xf32, #tpu.memory_space<vmem_shared>> -> memref<10240xf32, #tpu.memory_space<vmem_shared>>
          tpu.wait_indirect_dma semaphore(%run_scoped3A : memref<!tpu.dma_semaphore, #tpu.memory_space<semaphore_mem>>) src(%arg15 : memref<128xf32, #tpu.memory_space<vmem>>) dst(%dma_wait3A_137 : memref<10240xf32, #tpu.memory_space<vmem_shared>>)
          tpu.yield
        }) : () -> ()
        %dma_wait3A = arith.constant 0 : i32
        %dma_wait3A_105 = tpu.memref_slice %arg10[%mul3A_91, %dma_wait3A] : memref<8x128xi32, #tpu.memory_space<vmem>> -> memref<1x128xi32, #tpu.memory_space<vmem>>
        %dma_wait3A_106 = tpu.memref_squeeze %dma_wait3A_105 : memref<1x128xi32, #tpu.memory_space<vmem>> -> memref<128xi32, #tpu.memory_space<vmem>>
        %dma_wait3A_107 = arith.constant 0 : i32
        %dma_wait3A_108 = arith.constant 0 : i32
        %dma_wait3A_109 = tpu.memref_slice %arg2[%dma_wait3A_107, %dma_wait3A_108] : memref<10000x128xf32, #tpu.memory_space<hbm>> -> memref<10000x128xf32, #tpu.memory_space<hbm>>
        tpu.wait_indirect_dma semaphore(%arg18 : memref<!tpu.dma_semaphore, #tpu.memory_space<semaphore_mem>>) src(%dma_wait3A_109 : memref<10000x128xf32, #tpu.memory_space<hbm>>) dst(%arg12 : memref<128x128xf32, #tpu.memory_space<vmem>>)
        %dma_start3A_110 = arith.constant 0 : i32
        %dma_start3A_111 = tpu.memref_slice %arg11[%mul3A_91, %dma_start3A_110] : memref<8x128xi32, #tpu.memory_space<vmem>> -> memref<1x128xi32, #tpu.memory_space<vmem>>
        %dma_start3A_112 = tpu.memref_squeeze %dma_start3A_111 : memref<1x128xi32, #tpu.memory_space<vmem>> -> memref<128xi32, #tpu.memory_space<vmem>>
        %dma_start3A_113 = arith.constant 0 : i32
        %dma_start3A_114 = arith.constant 0 : i32
        %dma_start3A_115 = tpu.memref_slice %arg16[%dma_start3A_113, %dma_start3A_114] : memref<10112x128xf32, #tpu.memory_space<vmem_shared>> -> memref<10112x128xf32, #tpu.memory_space<vmem_shared>>
        tpu.enqueue_indirect_dma source(%arg12 : memref<128x128xf32, #tpu.memory_space<vmem>>) target(%dma_start3A_115 : memref<10112x128xf32, #tpu.memory_space<vmem_shared>>) offsets(%dma_start3A_112 : memref<128xi32, #tpu.memory_space<vmem>>) semaphore(%arg20 : memref<!tpu.dma_semaphore, #tpu.memory_space<semaphore_mem>>) {add = true}
        %dma_wait3A_116 = arith.constant 0 : i32
        %dma_wait3A_117 = tpu.memref_slice %arg10[%add3A_93, %dma_wait3A_116] : memref<8x128xi32, #tpu.memory_space<vmem>> -> memref<1x128xi32, #tpu.memory_space<vmem>>
        %dma_wait3A_118 = tpu.memref_squeeze %dma_wait3A_117 : memref<1x128xi32, #tpu.memory_space<vmem>> -> memref<128xi32, #tpu.memory_space<vmem>>
        %dma_wait3A_119 = arith.constant 0 : i32
        %dma_wait3A_120 = arith.constant 0 : i32
        %dma_wait3A_121 = tpu.memref_slice %arg2[%dma_wait3A_119, %dma_wait3A_120] : memref<10000x128xf32, #tpu.memory_space<hbm>> -> memref<10000x128xf32, #tpu.memory_space<hbm>>
        tpu.wait_indirect_dma semaphore(%arg19 : memref<!tpu.dma_semaphore, #tpu.memory_space<semaphore_mem>>) src(%dma_wait3A_121 : memref<10000x128xf32, #tpu.memory_space<hbm>>) dst(%arg13 : memref<128x128xf32, #tpu.memory_space<vmem>>)
        %dma_start3A_122 = arith.constant 0 : i32
        %dma_start3A_123 = tpu.memref_slice %arg11[%add3A_93, %dma_start3A_122] : memref<8x128xi32, #tpu.memory_space<vmem>> -> memref<1x128xi32, #tpu.memory_space<vmem>>
        %dma_start3A_124 = tpu.memref_squeeze %dma_start3A_123 : memref<1x128xi32, #tpu.memory_space<vmem>> -> memref<128xi32, #tpu.memory_space<vmem>>
        %dma_start3A_125 = arith.constant 0 : i32
        %dma_start3A_126 = arith.constant 0 : i32
        %dma_start3A_127 = tpu.memref_slice %arg16[%dma_start3A_125, %dma_start3A_126] : memref<10112x128xf32, #tpu.memory_space<vmem_shared>> -> memref<10112x128xf32, #tpu.memory_space<vmem_shared>>
        tpu.enqueue_indirect_dma source(%arg13 : memref<128x128xf32, #tpu.memory_space<vmem>>) target(%dma_start3A_127 : memref<10112x128xf32, #tpu.memory_space<vmem_shared>>) offsets(%dma_start3A_124 : memref<128xi32, #tpu.memory_space<vmem>>) semaphore(%arg21 : memref<!tpu.dma_semaphore, #tpu.memory_space<semaphore_mem>>) {add = true}
      }
      %scan3A_79 = arith.constant 4 : i32
    }
    %gt3A = arith.constant 0 : i32
    %gt3A_39 = arith.cmpi sgt, %select_n3A_22, %gt3A : i32
    %convert_element_type3A = arith.extui %gt3A_39 : i1 to i32
    %cond3A = arith.constant 0 : i32
    %cond3A_40 = arith.cmpi ne, %convert_element_type3A, %cond3A : i32
    scf.if %cond3A_40 {
      %dma_wait3A = arith.constant 0 : i32
      %dma_wait3A_62 = arith.constant 0 : i32
      %dma_wait3A_63 = tpu.memref_slice %arg11[%dma_wait3A, %dma_wait3A_62] : memref<8x128xi32, #tpu.memory_space<vmem>> -> memref<1x128xi32, #tpu.memory_space<vmem>>
      %dma_wait3A_64 = tpu.memref_squeeze %dma_wait3A_63 : memref<1x128xi32, #tpu.memory_space<vmem>> -> memref<128xi32, #tpu.memory_space<vmem>>
      %dma_wait3A_65 = arith.constant 0 : i32
      %dma_wait3A_66 = arith.constant 0 : i32
      %dma_wait3A_67 = tpu.memref_slice %arg16[%dma_wait3A_65, %dma_wait3A_66] : memref<10112x128xf32, #tpu.memory_space<vmem_shared>> -> memref<10112x128xf32, #tpu.memory_space<vmem_shared>>
      tpu.wait_indirect_dma semaphore(%arg20 : memref<!tpu.dma_semaphore, #tpu.memory_space<semaphore_mem>>) src(%arg12 : memref<128x128xf32, #tpu.memory_space<vmem>>) dst(%dma_wait3A_67 : memref<10112x128xf32, #tpu.memory_space<vmem_shared>>)
      %dma_wait3A_68 = arith.constant 1 : i32
      %dma_wait3A_69 = arith.constant 0 : i32
      %dma_wait3A_70 = tpu.memref_slice %arg11[%dma_wait3A_68, %dma_wait3A_69] : memref<8x128xi32, #tpu.memory_space<vmem>> -> memref<1x128xi32, #tpu.memory_space<vmem>>
      %dma_wait3A_71 = tpu.memref_squeeze %dma_wait3A_70 : memref<1x128xi32, #tpu.memory_space<vmem>> -> memref<128xi32, #tpu.memory_space<vmem>>
      %dma_wait3A_72 = arith.constant 0 : i32
      %dma_wait3A_73 = arith.constant 0 : i32
      %dma_wait3A_74 = tpu.memref_slice %arg16[%dma_wait3A_72, %dma_wait3A_73] : memref<10112x128xf32, #tpu.memory_space<vmem_shared>> -> memref<10112x128xf32, #tpu.memory_space<vmem_shared>>
      tpu.wait_indirect_dma semaphore(%arg21 : memref<!tpu.dma_semaphore, #tpu.memory_space<semaphore_mem>>) src(%arg13 : memref<128x128xf32, #tpu.memory_space<vmem>>) dst(%dma_wait3A_74 : memref<10112x128xf32, #tpu.memory_space<vmem_shared>>)
    } else {
    }
    %barrier3A_41 = arith.constant 0 : index
    tpu.barrier barrier_id(%barrier3A_41)
    "tpu.region"() ({
      %run_scoped3A = tpu.sem_alloc : memref<!tpu.dma_semaphore, #tpu.memory_space<semaphore_mem>>
      %dma_start3A = tpu.memref_slice %arg17[%mul3A_2] : memref<10240xf32, #tpu.memory_space<vmem_shared>> -> memref<640xf32, #tpu.memory_space<vmem_shared>>
      %dma_start3A_62 = tpu.memref_slice %arg17[%mul3A_2] : memref<10240xf32, #tpu.memory_space<vmem_shared>> -> memref<640xf32, #tpu.memory_space<vmem_shared>>
      tpu.enqueue_dma source(%dma_start3A_62 : memref<640xf32, #tpu.memory_space<vmem_shared>>) target(%arg14 : memref<640xf32, #tpu.memory_space<vmem>>) target_semaphore(%run_scoped3A : memref<!tpu.dma_semaphore, #tpu.memory_space<semaphore_mem>>)
      %dma_wait3A = tpu.memref_slice %arg17[%mul3A_2] : memref<10240xf32, #tpu.memory_space<vmem_shared>> -> memref<640xf32, #tpu.memory_space<vmem_shared>>
      %dma_wait3A_63 = tpu.memref_slice %arg17[%mul3A_2] : memref<10240xf32, #tpu.memory_space<vmem_shared>> -> memref<640xf32, #tpu.memory_space<vmem_shared>>
      tpu.wait_dma2 semaphore(%run_scoped3A : memref<!tpu.dma_semaphore, #tpu.memory_space<semaphore_mem>>) src(%dma_wait3A_63 : memref<640xf32, #tpu.memory_space<vmem_shared>>) dst(%arg14 : memref<640xf32, #tpu.memory_space<vmem>>)
      tpu.yield
    }) : () -> ()
    "tpu.region"() ({
      %run_scoped3A = tpu.sem_alloc : memref<!tpu.dma_semaphore, #tpu.memory_space<semaphore_mem>>
      %dma_start3A = tpu.memref_slice %arg9[%arg0, %mul3A_2] : memref<2x10240xf32, #tpu.memory_space<hbm>> -> memref<1x640xf32, #tpu.memory_space<hbm>>
      %dma_start3A_62 = tpu.memref_squeeze %dma_start3A : memref<1x640xf32, #tpu.memory_space<hbm>> -> memref<640xf32, #tpu.memory_space<hbm>>
      %dma_start3A_63 = tpu.memref_slice %arg9[%arg0, %mul3A_2] : memref<2x10240xf32, #tpu.memory_space<hbm>> -> memref<1x640xf32, #tpu.memory_space<hbm>>
      %dma_start3A_64 = tpu.memref_squeeze %dma_start3A_63 : memref<1x640xf32, #tpu.memory_space<hbm>> -> memref<640xf32, #tpu.memory_space<hbm>>
      tpu.enqueue_dma source(%arg14 : memref<640xf32, #tpu.memory_space<vmem>>) target(%dma_start3A_64 : memref<640xf32, #tpu.memory_space<hbm>>) target_semaphore(%run_scoped3A : memref<!tpu.dma_semaphore, #tpu.memory_space<semaphore_mem>>)
      %dma_wait3A = tpu.memref_slice %arg9[%arg0, %mul3A_2] : memref<2x10240xf32, #tpu.memory_space<hbm>> -> memref<1x640xf32, #tpu.memory_space<hbm>>
      %dma_wait3A_65 = tpu.memref_squeeze %dma_wait3A : memref<1x640xf32, #tpu.memory_space<hbm>> -> memref<640xf32, #tpu.memory_space<hbm>>
      %dma_wait3A_66 = tpu.memref_slice %arg9[%arg0, %mul3A_2] : memref<2x10240xf32, #tpu.memory_space<hbm>> -> memref<1x640xf32, #tpu.memory_space<hbm>>
      %dma_wait3A_67 = tpu.memref_squeeze %dma_wait3A_66 : memref<1x640xf32, #tpu.memory_space<hbm>> -> memref<640xf32, #tpu.memory_space<hbm>>
      tpu.wait_dma2 semaphore(%run_scoped3A : memref<!tpu.dma_semaphore, #tpu.memory_space<semaphore_mem>>) src(%arg14 : memref<640xf32, #tpu.memory_space<vmem>>) dst(%dma_wait3A_67 : memref<640xf32, #tpu.memory_space<hbm>>)
      tpu.yield
    }) : () -> ()
    %add3A_42 = arith.constant 0 : i32
    %add3A_43 = arith.addi %mul3A_0, %add3A_42 : i32
    "tpu.region"() ({
      %run_scoped3A = tpu.sem_alloc : memref<!tpu.dma_semaphore, #tpu.memory_space<semaphore_mem>>
      %dma_start3A = arith.constant 0 : i32
      %dma_start3A_62 = arith.constant 0 : i32
      %dma_start3A_63 = tpu.memref_slice %arg12[%dma_start3A, %dma_start3A_62] : memref<128x128xf32, #tpu.memory_space<vmem>> -> memref<128x128xf32, #tpu.memory_space<vmem>>
      %dma_start3A_64 = arith.constant 0 : i32
      %dma_start3A_65 = tpu.memref_slice %arg16[%add3A_43, %dma_start3A_64] : memref<10112x128xf32, #tpu.memory_space<vmem_shared>> -> memref<128x128xf32, #tpu.memory_space<vmem_shared>>
      %dma_start3A_66 = arith.constant 0 : i32
      %dma_start3A_67 = arith.constant 0 : i32
      %dma_start3A_68 = tpu.memref_slice %arg12[%dma_start3A_66, %dma_start3A_67] : memref<128x128xf32, #tpu.memory_space<vmem>> -> memref<128x128xf32, #tpu.memory_space<vmem>>
      %dma_start3A_69 = arith.constant 0 : i32
      %dma_start3A_70 = tpu.memref_slice %arg16[%add3A_43, %dma_start3A_69] : memref<10112x128xf32, #tpu.memory_space<vmem_shared>> -> memref<128x128xf32, #tpu.memory_space<vmem_shared>>
      tpu.enqueue_dma source(%dma_start3A_70 : memref<128x128xf32, #tpu.memory_space<vmem_shared>>) target(%dma_start3A_68 : memref<128x128xf32, #tpu.memory_space<vmem>>) target_semaphore(%run_scoped3A : memref<!tpu.dma_semaphore, #tpu.memory_space<semaphore_mem>>)
      %dma_wait3A = arith.constant 0 : i32
      %dma_wait3A_71 = arith.constant 0 : i32
      %dma_wait3A_72 = tpu.memref_slice %arg12[%dma_wait3A, %dma_wait3A_71] : memref<128x128xf32, #tpu.memory_space<vmem>> -> memref<128x128xf32, #tpu.memory_space<vmem>>
      %dma_wait3A_73 = arith.constant 0 : i32
      %dma_wait3A_74 = tpu.memref_slice %arg16[%add3A_43, %dma_wait3A_73] : memref<10112x128xf32, #tpu.memory_space<vmem_shared>> -> memref<128x128xf32, #tpu.memory_space<vmem_shared>>
      %dma_wait3A_75 = arith.constant 0 : i32
      %dma_wait3A_76 = arith.constant 0 : i32
      %dma_wait3A_77 = tpu.memref_slice %arg12[%dma_wait3A_75, %dma_wait3A_76] : memref<128x128xf32, #tpu.memory_space<vmem>> -> memref<128x128xf32, #tpu.memory_space<vmem>>
      %dma_wait3A_78 = arith.constant 0 : i32
      %dma_wait3A_79 = tpu.memref_slice %arg16[%add3A_43, %dma_wait3A_78] : memref<10112x128xf32, #tpu.memory_space<vmem_shared>> -> memref<128x128xf32, #tpu.memory_space<vmem_shared>>
      tpu.wait_dma2 semaphore(%run_scoped3A : memref<!tpu.dma_semaphore, #tpu.memory_space<semaphore_mem>>) src(%dma_wait3A_79 : memref<128x128xf32, #tpu.memory_space<vmem_shared>>) dst(%dma_wait3A_77 : memref<128x128xf32, #tpu.memory_space<vmem>>)
      tpu.yield
    }) : () -> ()
    %add3A_44 = arith.constant 0 : i32
    %add3A_45 = arith.addi %mul3A_0, %add3A_44 : i32
    "tpu.region"() ({
      %run_scoped3A = tpu.sem_alloc : memref<!tpu.dma_semaphore, #tpu.memory_space<semaphore_mem>>
      %dma_start3A = arith.constant 0 : i32
      %dma_start3A_62 = arith.constant 0 : i32
      %dma_start3A_63 = tpu.memref_slice %arg12[%dma_start3A, %dma_start3A_62] : memref<128x128xf32, #tpu.memory_space<vmem>> -> memref<128x128xf32, #tpu.memory_space<vmem>>
      %dma_start3A_64 = arith.constant 0 : i32
      %dma_start3A_65 = tpu.memref_slice %arg8[%arg0, %add3A_45, %dma_start3A_64] : memref<2x10112x128xf32, #tpu.memory_space<hbm>> -> memref<1x128x128xf32, #tpu.memory_space<hbm>>
      %dma_start3A_66 = tpu.memref_squeeze %dma_start3A_65 : memref<1x128x128xf32, #tpu.memory_space<hbm>> -> memref<128x128xf32, #tpu.memory_space<hbm>>
      %dma_start3A_67 = arith.constant 0 : i32
      %dma_start3A_68 = tpu.memref_slice %arg8[%arg0, %add3A_45, %dma_start3A_67] : memref<2x10112x128xf32, #tpu.memory_space<hbm>> -> memref<1x128x128xf32, #tpu.memory_space<hbm>>
      %dma_start3A_69 = tpu.memref_squeeze %dma_start3A_68 : memref<1x128x128xf32, #tpu.memory_space<hbm>> -> memref<128x128xf32, #tpu.memory_space<hbm>>
      %dma_start3A_70 = arith.constant 0 : i32
      %dma_start3A_71 = arith.constant 0 : i32
      %dma_start3A_72 = tpu.memref_slice %arg12[%dma_start3A_70, %dma_start3A_71] : memref<128x128xf32, #tpu.memory_space<vmem>> -> memref<128x128xf32, #tpu.memory_space<vmem>>
      tpu.enqueue_dma source(%dma_start3A_72 : memref<128x128xf32, #tpu.memory_space<vmem>>) target(%dma_start3A_69 : memref<128x128xf32, #tpu.memory_space<hbm>>) target_semaphore(%run_scoped3A : memref<!tpu.dma_semaphore, #tpu.memory_space<semaphore_mem>>)
      %dma_wait3A = arith.constant 0 : i32
      %dma_wait3A_73 = arith.constant 0 : i32
      %dma_wait3A_74 = tpu.memref_slice %arg12[%dma_wait3A, %dma_wait3A_73] : memref<128x128xf32, #tpu.memory_space<vmem>> -> memref<128x128xf32, #tpu.memory_space<vmem>>
      %dma_wait3A_75 = arith.constant 0 : i32
      %dma_wait3A_76 = tpu.memref_slice %arg8[%arg0, %add3A_45, %dma_wait3A_75] : memref<2x10112x128xf32, #tpu.memory_space<hbm>> -> memref<1x128x128xf32, #tpu.memory_space<hbm>>
      %dma_wait3A_77 = tpu.memref_squeeze %dma_wait3A_76 : memref<1x128x128xf32, #tpu.memory_space<hbm>> -> memref<128x128xf32, #tpu.memory_space<hbm>>
      %dma_wait3A_78 = arith.constant 0 : i32
      %dma_wait3A_79 = tpu.memref_slice %arg8[%arg0, %add3A_45, %dma_wait3A_78] : memref<2x10112x128xf32, #tpu.memory_space<hbm>> -> memref<1x128x128xf32, #tpu.memory_space<hbm>>
      %dma_wait3A_80 = tpu.memref_squeeze %dma_wait3A_79 : memref<1x128x128xf32, #tpu.memory_space<hbm>> -> memref<128x128xf32, #tpu.memory_space<hbm>>
      %dma_wait3A_81 = arith.constant 0 : i32
      %dma_wait3A_82 = arith.constant 0 : i32
      %dma_wait3A_83 = tpu.memref_slice %arg12[%dma_wait3A_81, %dma_wait3A_82] : memref<128x128xf32, #tpu.memory_space<vmem>> -> memref<128x128xf32, #tpu.memory_space<vmem>>
      tpu.wait_dma2 semaphore(%run_scoped3A : memref<!tpu.dma_semaphore, #tpu.memory_space<semaphore_mem>>) src(%dma_wait3A_83 : memref<128x128xf32, #tpu.memory_space<vmem>>) dst(%dma_wait3A_80 : memref<128x128xf32, #tpu.memory_space<hbm>>)
      tpu.yield
    }) : () -> ()
    %add3A_46 = arith.constant 128 : i32
    %add3A_47 = arith.addi %mul3A_0, %add3A_46 : i32
    "tpu.region"() ({
      %run_scoped3A = tpu.sem_alloc : memref<!tpu.dma_semaphore, #tpu.memory_space<semaphore_mem>>
      %dma_start3A = arith.constant 0 : i32
      %dma_start3A_62 = arith.constant 0 : i32
      %dma_start3A_63 = tpu.memref_slice %arg12[%dma_start3A, %dma_start3A_62] : memref<128x128xf32, #tpu.memory_space<vmem>> -> memref<128x128xf32, #tpu.memory_space<vmem>>
      %dma_start3A_64 = arith.constant 0 : i32
      %dma_start3A_65 = tpu.memref_slice %arg16[%add3A_47, %dma_start3A_64] : memref<10112x128xf32, #tpu.memory_space<vmem_shared>> -> memref<128x128xf32, #tpu.memory_space<vmem_shared>>
      %dma_start3A_66 = arith.constant 0 : i32
      %dma_start3A_67 = arith.constant 0 : i32
      %dma_start3A_68 = tpu.memref_slice %arg12[%dma_start3A_66, %dma_start3A_67] : memref<128x128xf32, #tpu.memory_space<vmem>> -> memref<128x128xf32, #tpu.memory_space<vmem>>
      %dma_start3A_69 = arith.constant 0 : i32
      %dma_start3A_70 = tpu.memref_slice %arg16[%add3A_47, %dma_start3A_69] : memref<10112x128xf32, #tpu.memory_space<vmem_shared>> -> memref<128x128xf32, #tpu.memory_space<vmem_shared>>
      tpu.enqueue_dma source(%dma_start3A_70 : memref<128x128xf32, #tpu.memory_space<vmem_shared>>) target(%dma_start3A_68 : memref<128x128xf32, #tpu.memory_space<vmem>>) target_semaphore(%run_scoped3A : memref<!tpu.dma_semaphore, #tpu.memory_space<semaphore_mem>>)
      %dma_wait3A = arith.constant 0 : i32
      %dma_wait3A_71 = arith.constant 0 : i32
      %dma_wait3A_72 = tpu.memref_slice %arg12[%dma_wait3A, %dma_wait3A_71] : memref<128x128xf32, #tpu.memory_space<vmem>> -> memref<128x128xf32, #tpu.memory_space<vmem>>
      %dma_wait3A_73 = arith.constant 0 : i32
      %dma_wait3A_74 = tpu.memref_slice %arg16[%add3A_47, %dma_wait3A_73] : memref<10112x128xf32, #tpu.memory_space<vmem_shared>> -> memref<128x128xf32, #tpu.memory_space<vmem_shared>>
      %dma_wait3A_75 = arith.constant 0 : i32
      %dma_wait3A_76 = arith.constant 0 : i32
      %dma_wait3A_77 = tpu.memref_slice %arg12[%dma_wait3A_75, %dma_wait3A_76] : memref<128x128xf32, #tpu.memory_space<vmem>> -> memref<128x128xf32, #tpu.memory_space<vmem>>
      %dma_wait3A_78 = arith.constant 0 : i32
      %dma_wait3A_79 = tpu.memref_slice %arg16[%add3A_47, %dma_wait3A_78] : memref<10112x128xf32, #tpu.memory_space<vmem_shared>> -> memref<128x128xf32, #tpu.memory_space<vmem_shared>>
      tpu.wait_dma2 semaphore(%run_scoped3A : memref<!tpu.dma_semaphore, #tpu.memory_space<semaphore_mem>>) src(%dma_wait3A_79 : memref<128x128xf32, #tpu.memory_space<vmem_shared>>) dst(%dma_wait3A_77 : memref<128x128xf32, #tpu.memory_space<vmem>>)
      tpu.yield
    }) : () -> ()
    %add3A_48 = arith.constant 128 : i32
    %add3A_49 = arith.addi %mul3A_0, %add3A_48 : i32
    "tpu.region"() ({
      %run_scoped3A = tpu.sem_alloc : memref<!tpu.dma_semaphore, #tpu.memory_space<semaphore_mem>>
      %dma_start3A = arith.constant 0 : i32
      %dma_start3A_62 = arith.constant 0 : i32
      %dma_start3A_63 = tpu.memref_slice %arg12[%dma_start3A, %dma_start3A_62] : memref<128x128xf32, #tpu.memory_space<vmem>> -> memref<128x128xf32, #tpu.memory_space<vmem>>
      %dma_start3A_64 = arith.constant 0 : i32
      %dma_start3A_65 = tpu.memref_slice %arg8[%arg0, %add3A_49, %dma_start3A_64] : memref<2x10112x128xf32, #tpu.memory_space<hbm>> -> memref<1x128x128xf32, #tpu.memory_space<hbm>>
      %dma_start3A_66 = tpu.memref_squeeze %dma_start3A_65 : memref<1x128x128xf32, #tpu.memory_space<hbm>> -> memref<128x128xf32, #tpu.memory_space<hbm>>
      %dma_start3A_67 = arith.constant 0 : i32
      %dma_start3A_68 = tpu.memref_slice %arg8[%arg0, %add3A_49, %dma_start3A_67] : memref<2x10112x128xf32, #tpu.memory_space<hbm>> -> memref<1x128x128xf32, #tpu.memory_space<hbm>>
      %dma_start3A_69 = tpu.memref_squeeze %dma_start3A_68 : memref<1x128x128xf32, #tpu.memory_space<hbm>> -> memref<128x128xf32, #tpu.memory_space<hbm>>
      %dma_start3A_70 = arith.constant 0 : i32
      %dma_start3A_71 = arith.constant 0 : i32
      %dma_start3A_72 = tpu.memref_slice %arg12[%dma_start3A_70, %dma_start3A_71] : memref<128x128xf32, #tpu.memory_space<vmem>> -> memref<128x128xf32, #tpu.memory_space<vmem>>
      tpu.enqueue_dma source(%dma_start3A_72 : memref<128x128xf32, #tpu.memory_space<vmem>>) target(%dma_start3A_69 : memref<128x128xf32, #tpu.memory_space<hbm>>) target_semaphore(%run_scoped3A : memref<!tpu.dma_semaphore, #tpu.memory_space<semaphore_mem>>)
      %dma_wait3A = arith.constant 0 : i32
      %dma_wait3A_73 = arith.constant 0 : i32
      %dma_wait3A_74 = tpu.memref_slice %arg12[%dma_wait3A, %dma_wait3A_73] : memref<128x128xf32, #tpu.memory_space<vmem>> -> memref<128x128xf32, #tpu.memory_space<vmem>>
      %dma_wait3A_75 = arith.constant 0 : i32
      %dma_wait3A_76 = tpu.memref_slice %arg8[%arg0, %add3A_49, %dma_wait3A_75] : memref<2x10112x128xf32, #tpu.memory_space<hbm>> -> memref<1x128x128xf32, #tpu.memory_space<hbm>>
      %dma_wait3A_77 = tpu.memref_squeeze %dma_wait3A_76 : memref<1x128x128xf32, #tpu.memory_space<hbm>> -> memref<128x128xf32, #tpu.memory_space<hbm>>
      %dma_wait3A_78 = arith.constant 0 : i32
      %dma_wait3A_79 = tpu.memref_slice %arg8[%arg0, %add3A_49, %dma_wait3A_78] : memref<2x10112x128xf32, #tpu.memory_space<hbm>> -> memref<1x128x128xf32, #tpu.memory_space<hbm>>
      %dma_wait3A_80 = tpu.memref_squeeze %dma_wait3A_79 : memref<1x128x128xf32, #tpu.memory_space<hbm>> -> memref<128x128xf32, #tpu.memory_space<hbm>>
      %dma_wait3A_81 = arith.constant 0 : i32
      %dma_wait3A_82 = arith.constant 0 : i32
      %dma_wait3A_83 = tpu.memref_slice %arg12[%dma_wait3A_81, %dma_wait3A_82] : memref<128x128xf32, #tpu.memory_space<vmem>> -> memref<128x128xf32, #tpu.memory_space<vmem>>
      tpu.wait_dma2 semaphore(%run_scoped3A : memref<!tpu.dma_semaphore, #tpu.memory_space<semaphore_mem>>) src(%dma_wait3A_83 : memref<128x128xf32, #tpu.memory_space<vmem>>) dst(%dma_wait3A_80 : memref<128x128xf32, #tpu.memory_space<hbm>>)
      tpu.yield
    }) : () -> ()
    %add3A_50 = arith.constant 256 : i32
    %add3A_51 = arith.addi %mul3A_0, %add3A_50 : i32
    "tpu.region"() ({
      %run_scoped3A = tpu.sem_alloc : memref<!tpu.dma_semaphore, #tpu.memory_space<semaphore_mem>>
      %dma_start3A = arith.constant 0 : i32
      %dma_start3A_62 = arith.constant 0 : i32
      %dma_start3A_63 = tpu.memref_slice %arg12[%dma_start3A, %dma_start3A_62] : memref<128x128xf32, #tpu.memory_space<vmem>> -> memref<128x128xf32, #tpu.memory_space<vmem>>
      %dma_start3A_64 = arith.constant 0 : i32
      %dma_start3A_65 = tpu.memref_slice %arg16[%add3A_51, %dma_start3A_64] : memref<10112x128xf32, #tpu.memory_space<vmem_shared>> -> memref<128x128xf32, #tpu.memory_space<vmem_shared>>
      %dma_start3A_66 = arith.constant 0 : i32
      %dma_start3A_67 = arith.constant 0 : i32
      %dma_start3A_68 = tpu.memref_slice %arg12[%dma_start3A_66, %dma_start3A_67] : memref<128x128xf32, #tpu.memory_space<vmem>> -> memref<128x128xf32, #tpu.memory_space<vmem>>
      %dma_start3A_69 = arith.constant 0 : i32
      %dma_start3A_70 = tpu.memref_slice %arg16[%add3A_51, %dma_start3A_69] : memref<10112x128xf32, #tpu.memory_space<vmem_shared>> -> memref<128x128xf32, #tpu.memory_space<vmem_shared>>
      tpu.enqueue_dma source(%dma_start3A_70 : memref<128x128xf32, #tpu.memory_space<vmem_shared>>) target(%dma_start3A_68 : memref<128x128xf32, #tpu.memory_space<vmem>>) target_semaphore(%run_scoped3A : memref<!tpu.dma_semaphore, #tpu.memory_space<semaphore_mem>>)
      %dma_wait3A = arith.constant 0 : i32
      %dma_wait3A_71 = arith.constant 0 : i32
      %dma_wait3A_72 = tpu.memref_slice %arg12[%dma_wait3A, %dma_wait3A_71] : memref<128x128xf32, #tpu.memory_space<vmem>> -> memref<128x128xf32, #tpu.memory_space<vmem>>
      %dma_wait3A_73 = arith.constant 0 : i32
      %dma_wait3A_74 = tpu.memref_slice %arg16[%add3A_51, %dma_wait3A_73] : memref<10112x128xf32, #tpu.memory_space<vmem_shared>> -> memref<128x128xf32, #tpu.memory_space<vmem_shared>>
      %dma_wait3A_75 = arith.constant 0 : i32
      %dma_wait3A_76 = arith.constant 0 : i32
      %dma_wait3A_77 = tpu.memref_slice %arg12[%dma_wait3A_75, %dma_wait3A_76] : memref<128x128xf32, #tpu.memory_space<vmem>> -> memref<128x128xf32, #tpu.memory_space<vmem>>
      %dma_wait3A_78 = arith.constant 0 : i32
      %dma_wait3A_79 = tpu.memref_slice %arg16[%add3A_51, %dma_wait3A_78] : memref<10112x128xf32, #tpu.memory_space<vmem_shared>> -> memref<128x128xf32, #tpu.memory_space<vmem_shared>>
      tpu.wait_dma2 semaphore(%run_scoped3A : memref<!tpu.dma_semaphore, #tpu.memory_space<semaphore_mem>>) src(%dma_wait3A_79 : memref<128x128xf32, #tpu.memory_space<vmem_shared>>) dst(%dma_wait3A_77 : memref<128x128xf32, #tpu.memory_space<vmem>>)
      tpu.yield
    }) : () -> ()
    %add3A_52 = arith.constant 256 : i32
    %add3A_53 = arith.addi %mul3A_0, %add3A_52 : i32
    "tpu.region"() ({
      %run_scoped3A = tpu.sem_alloc : memref<!tpu.dma_semaphore, #tpu.memory_space<semaphore_mem>>
      %dma_start3A = arith.constant 0 : i32
      %dma_start3A_62 = arith.constant 0 : i32
      %dma_start3A_63 = tpu.memref_slice %arg12[%dma_start3A, %dma_start3A_62] : memref<128x128xf32, #tpu.memory_space<vmem>> -> memref<128x128xf32, #tpu.memory_space<vmem>>
      %dma_start3A_64 = arith.constant 0 : i32
      %dma_start3A_65 = tpu.memref_slice %arg8[%arg0, %add3A_53, %dma_start3A_64] : memref<2x10112x128xf32, #tpu.memory_space<hbm>> -> memref<1x128x128xf32, #tpu.memory_space<hbm>>
      %dma_start3A_66 = tpu.memref_squeeze %dma_start3A_65 : memref<1x128x128xf32, #tpu.memory_space<hbm>> -> memref<128x128xf32, #tpu.memory_space<hbm>>
      %dma_start3A_67 = arith.constant 0 : i32
      %dma_start3A_68 = tpu.memref_slice %arg8[%arg0, %add3A_53, %dma_start3A_67] : memref<2x10112x128xf32, #tpu.memory_space<hbm>> -> memref<1x128x128xf32, #tpu.memory_space<hbm>>
      %dma_start3A_69 = tpu.memref_squeeze %dma_start3A_68 : memref<1x128x128xf32, #tpu.memory_space<hbm>> -> memref<128x128xf32, #tpu.memory_space<hbm>>
      %dma_start3A_70 = arith.constant 0 : i32
      %dma_start3A_71 = arith.constant 0 : i32
      %dma_start3A_72 = tpu.memref_slice %arg12[%dma_start3A_70, %dma_start3A_71] : memref<128x128xf32, #tpu.memory_space<vmem>> -> memref<128x128xf32, #tpu.memory_space<vmem>>
      tpu.enqueue_dma source(%dma_start3A_72 : memref<128x128xf32, #tpu.memory_space<vmem>>) target(%dma_start3A_69 : memref<128x128xf32, #tpu.memory_space<hbm>>) target_semaphore(%run_scoped3A : memref<!tpu.dma_semaphore, #tpu.memory_space<semaphore_mem>>)
      %dma_wait3A = arith.constant 0 : i32
      %dma_wait3A_73 = arith.constant 0 : i32
      %dma_wait3A_74 = tpu.memref_slice %arg12[%dma_wait3A, %dma_wait3A_73] : memref<128x128xf32, #tpu.memory_space<vmem>> -> memref<128x128xf32, #tpu.memory_space<vmem>>
      %dma_wait3A_75 = arith.constant 0 : i32
      %dma_wait3A_76 = tpu.memref_slice %arg8[%arg0, %add3A_53, %dma_wait3A_75] : memref<2x10112x128xf32, #tpu.memory_space<hbm>> -> memref<1x128x128xf32, #tpu.memory_space<hbm>>
      %dma_wait3A_77 = tpu.memref_squeeze %dma_wait3A_76 : memref<1x128x128xf32, #tpu.memory_space<hbm>> -> memref<128x128xf32, #tpu.memory_space<hbm>>
      %dma_wait3A_78 = arith.constant 0 : i32
      %dma_wait3A_79 = tpu.memref_slice %arg8[%arg0, %add3A_53, %dma_wait3A_78] : memref<2x10112x128xf32, #tpu.memory_space<hbm>> -> memref<1x128x128xf32, #tpu.memory_space<hbm>>
      %dma_wait3A_80 = tpu.memref_squeeze %dma_wait3A_79 : memref<1x128x128xf32, #tpu.memory_space<hbm>> -> memref<128x128xf32, #tpu.memory_space<hbm>>
      %dma_wait3A_81 = arith.constant 0 : i32
      %dma_wait3A_82 = arith.constant 0 : i32
      %dma_wait3A_83 = tpu.memref_slice %arg12[%dma_wait3A_81, %dma_wait3A_82] : memref<128x128xf32, #tpu.memory_space<vmem>> -> memref<128x128xf32, #tpu.memory_space<vmem>>
      tpu.wait_dma2 semaphore(%run_scoped3A : memref<!tpu.dma_semaphore, #tpu.memory_space<semaphore_mem>>) src(%dma_wait3A_83 : memref<128x128xf32, #tpu.memory_space<vmem>>) dst(%dma_wait3A_80 : memref<128x128xf32, #tpu.memory_space<hbm>>)
      tpu.yield
    }) : () -> ()
    %add3A_54 = arith.constant 384 : i32
    %add3A_55 = arith.addi %mul3A_0, %add3A_54 : i32
    "tpu.region"() ({
      %run_scoped3A = tpu.sem_alloc : memref<!tpu.dma_semaphore, #tpu.memory_space<semaphore_mem>>
      %dma_start3A = arith.constant 0 : i32
      %dma_start3A_62 = arith.constant 0 : i32
      %dma_start3A_63 = tpu.memref_slice %arg12[%dma_start3A, %dma_start3A_62] : memref<128x128xf32, #tpu.memory_space<vmem>> -> memref<128x128xf32, #tpu.memory_space<vmem>>
      %dma_start3A_64 = arith.constant 0 : i32
      %dma_start3A_65 = tpu.memref_slice %arg16[%add3A_55, %dma_start3A_64] : memref<10112x128xf32, #tpu.memory_space<vmem_shared>> -> memref<128x128xf32, #tpu.memory_space<vmem_shared>>
      %dma_start3A_66 = arith.constant 0 : i32
      %dma_start3A_67 = arith.constant 0 : i32
      %dma_start3A_68 = tpu.memref_slice %arg12[%dma_start3A_66, %dma_start3A_67] : memref<128x128xf32, #tpu.memory_space<vmem>> -> memref<128x128xf32, #tpu.memory_space<vmem>>
      %dma_start3A_69 = arith.constant 0 : i32
      %dma_start3A_70 = tpu.memref_slice %arg16[%add3A_55, %dma_start3A_69] : memref<10112x128xf32, #tpu.memory_space<vmem_shared>> -> memref<128x128xf32, #tpu.memory_space<vmem_shared>>
      tpu.enqueue_dma source(%dma_start3A_70 : memref<128x128xf32, #tpu.memory_space<vmem_shared>>) target(%dma_start3A_68 : memref<128x128xf32, #tpu.memory_space<vmem>>) target_semaphore(%run_scoped3A : memref<!tpu.dma_semaphore, #tpu.memory_space<semaphore_mem>>)
      %dma_wait3A = arith.constant 0 : i32
      %dma_wait3A_71 = arith.constant 0 : i32
      %dma_wait3A_72 = tpu.memref_slice %arg12[%dma_wait3A, %dma_wait3A_71] : memref<128x128xf32, #tpu.memory_space<vmem>> -> memref<128x128xf32, #tpu.memory_space<vmem>>
      %dma_wait3A_73 = arith.constant 0 : i32
      %dma_wait3A_74 = tpu.memref_slice %arg16[%add3A_55, %dma_wait3A_73] : memref<10112x128xf32, #tpu.memory_space<vmem_shared>> -> memref<128x128xf32, #tpu.memory_space<vmem_shared>>
      %dma_wait3A_75 = arith.constant 0 : i32
      %dma_wait3A_76 = arith.constant 0 : i32
      %dma_wait3A_77 = tpu.memref_slice %arg12[%dma_wait3A_75, %dma_wait3A_76] : memref<128x128xf32, #tpu.memory_space<vmem>> -> memref<128x128xf32, #tpu.memory_space<vmem>>
      %dma_wait3A_78 = arith.constant 0 : i32
      %dma_wait3A_79 = tpu.memref_slice %arg16[%add3A_55, %dma_wait3A_78] : memref<10112x128xf32, #tpu.memory_space<vmem_shared>> -> memref<128x128xf32, #tpu.memory_space<vmem_shared>>
      tpu.wait_dma2 semaphore(%run_scoped3A : memref<!tpu.dma_semaphore, #tpu.memory_space<semaphore_mem>>) src(%dma_wait3A_79 : memref<128x128xf32, #tpu.memory_space<vmem_shared>>) dst(%dma_wait3A_77 : memref<128x128xf32, #tpu.memory_space<vmem>>)
      tpu.yield
    }) : () -> ()
    %add3A_56 = arith.constant 384 : i32
    %add3A_57 = arith.addi %mul3A_0, %add3A_56 : i32
    "tpu.region"() ({
      %run_scoped3A = tpu.sem_alloc : memref<!tpu.dma_semaphore, #tpu.memory_space<semaphore_mem>>
      %dma_start3A = arith.constant 0 : i32
      %dma_start3A_62 = arith.constant 0 : i32
      %dma_start3A_63 = tpu.memref_slice %arg12[%dma_start3A, %dma_start3A_62] : memref<128x128xf32, #tpu.memory_space<vmem>> -> memref<128x128xf32, #tpu.memory_space<vmem>>
      %dma_start3A_64 = arith.constant 0 : i32
      %dma_start3A_65 = tpu.memref_slice %arg8[%arg0, %add3A_57, %dma_start3A_64] : memref<2x10112x128xf32, #tpu.memory_space<hbm>> -> memref<1x128x128xf32, #tpu.memory_space<hbm>>
      %dma_start3A_66 = tpu.memref_squeeze %dma_start3A_65 : memref<1x128x128xf32, #tpu.memory_space<hbm>> -> memref<128x128xf32, #tpu.memory_space<hbm>>
      %dma_start3A_67 = arith.constant 0 : i32
      %dma_start3A_68 = tpu.memref_slice %arg8[%arg0, %add3A_57, %dma_start3A_67] : memref<2x10112x128xf32, #tpu.memory_space<hbm>> -> memref<1x128x128xf32, #tpu.memory_space<hbm>>
      %dma_start3A_69 = tpu.memref_squeeze %dma_start3A_68 : memref<1x128x128xf32, #tpu.memory_space<hbm>> -> memref<128x128xf32, #tpu.memory_space<hbm>>
      %dma_start3A_70 = arith.constant 0 : i32
      %dma_start3A_71 = arith.constant 0 : i32
      %dma_start3A_72 = tpu.memref_slice %arg12[%dma_start3A_70, %dma_start3A_71] : memref<128x128xf32, #tpu.memory_space<vmem>> -> memref<128x128xf32, #tpu.memory_space<vmem>>
      tpu.enqueue_dma source(%dma_start3A_72 : memref<128x128xf32, #tpu.memory_space<vmem>>) target(%dma_start3A_69 : memref<128x128xf32, #tpu.memory_space<hbm>>) target_semaphore(%run_scoped3A : memref<!tpu.dma_semaphore, #tpu.memory_space<semaphore_mem>>)
      %dma_wait3A = arith.constant 0 : i32
      %dma_wait3A_73 = arith.constant 0 : i32
      %dma_wait3A_74 = tpu.memref_slice %arg12[%dma_wait3A, %dma_wait3A_73] : memref<128x128xf32, #tpu.memory_space<vmem>> -> memref<128x128xf32, #tpu.memory_space<vmem>>
      %dma_wait3A_75 = arith.constant 0 : i32
      %dma_wait3A_76 = tpu.memref_slice %arg8[%arg0, %add3A_57, %dma_wait3A_75] : memref<2x10112x128xf32, #tpu.memory_space<hbm>> -> memref<1x128x128xf32, #tpu.memory_space<hbm>>
      %dma_wait3A_77 = tpu.memref_squeeze %dma_wait3A_76 : memref<1x128x128xf32, #tpu.memory_space<hbm>> -> memref<128x128xf32, #tpu.memory_space<hbm>>
      %dma_wait3A_78 = arith.constant 0 : i32
      %dma_wait3A_79 = tpu.memref_slice %arg8[%arg0, %add3A_57, %dma_wait3A_78] : memref<2x10112x128xf32, #tpu.memory_space<hbm>> -> memref<1x128x128xf32, #tpu.memory_space<hbm>>
      %dma_wait3A_80 = tpu.memref_squeeze %dma_wait3A_79 : memref<1x128x128xf32, #tpu.memory_space<hbm>> -> memref<128x128xf32, #tpu.memory_space<hbm>>
      %dma_wait3A_81 = arith.constant 0 : i32
      %dma_wait3A_82 = arith.constant 0 : i32
      %dma_wait3A_83 = tpu.memref_slice %arg12[%dma_wait3A_81, %dma_wait3A_82] : memref<128x128xf32, #tpu.memory_space<vmem>> -> memref<128x128xf32, #tpu.memory_space<vmem>>
      tpu.wait_dma2 semaphore(%run_scoped3A : memref<!tpu.dma_semaphore, #tpu.memory_space<semaphore_mem>>) src(%dma_wait3A_83 : memref<128x128xf32, #tpu.memory_space<vmem>>) dst(%dma_wait3A_80 : memref<128x128xf32, #tpu.memory_space<hbm>>)
      tpu.yield
    }) : () -> ()
    %add3A_58 = arith.constant 512 : i32
    %add3A_59 = arith.addi %mul3A_0, %add3A_58 : i32
    "tpu.region"() ({
      %run_scoped3A = tpu.sem_alloc : memref<!tpu.dma_semaphore, #tpu.memory_space<semaphore_mem>>
      %dma_start3A = arith.constant 0 : i32
      %dma_start3A_62 = arith.constant 0 : i32
      %dma_start3A_63 = tpu.memref_slice %arg12[%dma_start3A, %dma_start3A_62] : memref<128x128xf32, #tpu.memory_space<vmem>> -> memref<120x128xf32, #tpu.memory_space<vmem>>
      %dma_start3A_64 = arith.constant 0 : i32
      %dma_start3A_65 = tpu.memref_slice %arg16[%add3A_59, %dma_start3A_64] : memref<10112x128xf32, #tpu.memory_space<vmem_shared>> -> memref<120x128xf32, #tpu.memory_space<vmem_shared>>
      %dma_start3A_66 = arith.constant 0 : i32
      %dma_start3A_67 = arith.constant 0 : i32
      %dma_start3A_68 = tpu.memref_slice %arg12[%dma_start3A_66, %dma_start3A_67] : memref<128x128xf32, #tpu.memory_space<vmem>> -> memref<120x128xf32, #tpu.memory_space<vmem>>
      %dma_start3A_69 = arith.constant 0 : i32
      %dma_start3A_70 = tpu.memref_slice %arg16[%add3A_59, %dma_start3A_69] : memref<10112x128xf32, #tpu.memory_space<vmem_shared>> -> memref<120x128xf32, #tpu.memory_space<vmem_shared>>
      tpu.enqueue_dma source(%dma_start3A_70 : memref<120x128xf32, #tpu.memory_space<vmem_shared>>) target(%dma_start3A_68 : memref<120x128xf32, #tpu.memory_space<vmem>>) target_semaphore(%run_scoped3A : memref<!tpu.dma_semaphore, #tpu.memory_space<semaphore_mem>>)
      %dma_wait3A = arith.constant 0 : i32
      %dma_wait3A_71 = arith.constant 0 : i32
      %dma_wait3A_72 = tpu.memref_slice %arg12[%dma_wait3A, %dma_wait3A_71] : memref<128x128xf32, #tpu.memory_space<vmem>> -> memref<120x128xf32, #tpu.memory_space<vmem>>
      %dma_wait3A_73 = arith.constant 0 : i32
      %dma_wait3A_74 = tpu.memref_slice %arg16[%add3A_59, %dma_wait3A_73] : memref<10112x128xf32, #tpu.memory_space<vmem_shared>> -> memref<120x128xf32, #tpu.memory_space<vmem_shared>>
      %dma_wait3A_75 = arith.constant 0 : i32
      %dma_wait3A_76 = arith.constant 0 : i32
      %dma_wait3A_77 = tpu.memref_slice %arg12[%dma_wait3A_75, %dma_wait3A_76] : memref<128x128xf32, #tpu.memory_space<vmem>> -> memref<120x128xf32, #tpu.memory_space<vmem>>
      %dma_wait3A_78 = arith.constant 0 : i32
      %dma_wait3A_79 = tpu.memref_slice %arg16[%add3A_59, %dma_wait3A_78] : memref<10112x128xf32, #tpu.memory_space<vmem_shared>> -> memref<120x128xf32, #tpu.memory_space<vmem_shared>>
      tpu.wait_dma2 semaphore(%run_scoped3A : memref<!tpu.dma_semaphore, #tpu.memory_space<semaphore_mem>>) src(%dma_wait3A_79 : memref<120x128xf32, #tpu.memory_space<vmem_shared>>) dst(%dma_wait3A_77 : memref<120x128xf32, #tpu.memory_space<vmem>>)
      tpu.yield
    }) : () -> ()
    %add3A_60 = arith.constant 512 : i32
    %add3A_61 = arith.addi %mul3A_0, %add3A_60 : i32
    "tpu.region"() ({
      %run_scoped3A = tpu.sem_alloc : memref<!tpu.dma_semaphore, #tpu.memory_space<semaphore_mem>>
      %dma_start3A = arith.constant 0 : i32
      %dma_start3A_62 = arith.constant 0 : i32
      %dma_start3A_63 = tpu.memref_slice %arg12[%dma_start3A, %dma_start3A_62] : memref<128x128xf32, #tpu.memory_space<vmem>> -> memref<120x128xf32, #tpu.memory_space<vmem>>
      %dma_start3A_64 = arith.constant 0 : i32
      %dma_start3A_65 = tpu.memref_slice %arg8[%arg0, %add3A_61, %dma_start3A_64] : memref<2x10112x128xf32, #tpu.memory_space<hbm>> -> memref<1x120x128xf32, #tpu.memory_space<hbm>>
      %dma_start3A_66 = tpu.memref_squeeze %dma_start3A_65 : memref<1x120x128xf32, #tpu.memory_space<hbm>> -> memref<120x128xf32, #tpu.memory_space<hbm>>
      %dma_start3A_67 = arith.constant 0 : i32
      %dma_start3A_68 = tpu.memref_slice %arg8[%arg0, %add3A_61, %dma_start3A_67] : memref<2x10112x128xf32, #tpu.memory_space<hbm>> -> memref<1x120x128xf32, #tpu.memory_space<hbm>>
      %dma_start3A_69 = tpu.memref_squeeze %dma_start3A_68 : memref<1x120x128xf32, #tpu.memory_space<hbm>> -> memref<120x128xf32, #tpu.memory_space<hbm>>
      %dma_start3A_70 = arith.constant 0 : i32
      %dma_start3A_71 = arith.constant 0 : i32
      %dma_start3A_72 = tpu.memref_slice %arg12[%dma_start3A_70, %dma_start3A_71] : memref<128x128xf32, #tpu.memory_space<vmem>> -> memref<120x128xf32, #tpu.memory_space<vmem>>
      tpu.enqueue_dma source(%dma_start3A_72 : memref<120x128xf32, #tpu.memory_space<vmem>>) target(%dma_start3A_69 : memref<120x128xf32, #tpu.memory_space<hbm>>) target_semaphore(%run_scoped3A : memref<!tpu.dma_semaphore, #tpu.memory_space<semaphore_mem>>)
      %dma_wait3A = arith.constant 0 : i32
      %dma_wait3A_73 = arith.constant 0 : i32
      %dma_wait3A_74 = tpu.memref_slice %arg12[%dma_wait3A, %dma_wait3A_73] : memref<128x128xf32, #tpu.memory_space<vmem>> -> memref<120x128xf32, #tpu.memory_space<vmem>>
      %dma_wait3A_75 = arith.constant 0 : i32
      %dma_wait3A_76 = tpu.memref_slice %arg8[%arg0, %add3A_61, %dma_wait3A_75] : memref<2x10112x128xf32, #tpu.memory_space<hbm>> -> memref<1x120x128xf32, #tpu.memory_space<hbm>>
      %dma_wait3A_77 = tpu.memref_squeeze %dma_wait3A_76 : memref<1x120x128xf32, #tpu.memory_space<hbm>> -> memref<120x128xf32, #tpu.memory_space<hbm>>
      %dma_wait3A_78 = arith.constant 0 : i32
      %dma_wait3A_79 = tpu.memref_slice %arg8[%arg0, %add3A_61, %dma_wait3A_78] : memref<2x10112x128xf32, #tpu.memory_space<hbm>> -> memref<1x120x128xf32, #tpu.memory_space<hbm>>
      %dma_wait3A_80 = tpu.memref_squeeze %dma_wait3A_79 : memref<1x120x128xf32, #tpu.memory_space<hbm>> -> memref<120x128xf32, #tpu.memory_space<hbm>>
      %dma_wait3A_81 = arith.constant 0 : i32
      %dma_wait3A_82 = arith.constant 0 : i32
      %dma_wait3A_83 = tpu.memref_slice %arg12[%dma_wait3A_81, %dma_wait3A_82] : memref<128x128xf32, #tpu.memory_space<vmem>> -> memref<120x128xf32, #tpu.memory_space<vmem>>
      tpu.wait_dma2 semaphore(%run_scoped3A : memref<!tpu.dma_semaphore, #tpu.memory_space<semaphore_mem>>) src(%dma_wait3A_83 : memref<120x128xf32, #tpu.memory_space<vmem>>) dst(%dma_wait3A_80 : memref<120x128xf32, #tpu.memory_space<hbm>>)
      tpu.yield
    }) : () -> ()
    return
  }
}

module attributes {stable_mosaic.version = 14 : i64} {
  func.func @_combine_body(%arg0: i32, %arg1: memref<2x128x128xf32, #tpu.memory_space<vmem>>, %arg2: memref<2x128xf32, #tpu.memory_space<vmem>>, %arg3: memref<128x128xf32, #tpu.memory_space<vmem>>) attributes {dimension_semantics = [#tpu.dimension_semantics<arbitrary>], iteration_bounds = array<i64: 79>, scalar_prefetch = 0 : i64, scratch_operands = 0 : i64, tpu.core_type = #tpu.core_type<tc>, window_params = [{transform_indices = @transform_0, window_bounds = array<i64: 2, 128, 128>}, {transform_indices = @transform_1, window_bounds = array<i64: 2, 128>}, {transform_indices = @transform_2, window_bounds = array<i64: 128, 128>}]} {
    %get3A = arith.constant 0 : index
    %get3A_0 = arith.constant 0 : index
    %get3A_1 = arith.constant 0 : index
    %get3A_2 = vector.load %arg1[%get3A, %get3A_0, %get3A_1] : memref<2x128x128xf32, #tpu.memory_space<vmem>>, vector<1x128x128xf32>
    %get3A_3 = vector.shape_cast %get3A_2 : vector<1x128x128xf32> to vector<128x128xf32>
    %get3A_4 = arith.constant 1 : index
    %get3A_5 = arith.constant 0 : index
    %get3A_6 = arith.constant 0 : index
    %get3A_7 = vector.load %arg1[%get3A_4, %get3A_5, %get3A_6] : memref<2x128x128xf32, #tpu.memory_space<vmem>>, vector<1x128x128xf32>
    %get3A_8 = vector.shape_cast %get3A_7 : vector<1x128x128xf32> to vector<128x128xf32>
    %add3A = arith.addf %get3A_3, %get3A_8 : vector<128x128xf32>
    %get3A_9 = arith.constant 0 : index
    %get3A_10 = arith.constant 0 : index
    %get3A_11 = vector.load %arg2[%get3A_9, %get3A_10] : memref<2x128xf32, #tpu.memory_space<vmem>>, vector<1x128xf32>
    %get3A_12 = vector.shape_cast %get3A_11 : vector<1x128xf32> to vector<128xf32>
    %get3A_13 = arith.constant 1 : index
    %get3A_14 = arith.constant 0 : index
    %get3A_15 = vector.load %arg2[%get3A_13, %get3A_14] : memref<2x128xf32, #tpu.memory_space<vmem>>, vector<1x128xf32>
    %get3A_16 = vector.shape_cast %get3A_15 : vector<1x128xf32> to vector<128xf32>
    %add3A_17 = arith.addf %get3A_12, %get3A_16 : vector<128xf32>
    %broadcast_in_dim3A = vector.shape_cast %add3A_17 : vector<128xf32> to vector<128x1xf32>
    %max3A = arith.constant 1.000000e+00 : f32
    %max3A_18 = vector.broadcast %max3A : f32 to vector<128x1xf32>
    %max3A_19 = arith.maximumf %broadcast_in_dim3A, %max3A_18 : vector<128x1xf32>
    %div3A = vector.broadcast %max3A_19 : vector<128x1xf32> to vector<128x128xf32>
    %div3A_20 = arith.divf %add3A, %div3A : vector<128x128xf32>
    %swap3A = arith.constant 0 : index
    %swap3A_21 = arith.constant 0 : index
    %swap3A_22 = vector.load %arg3[%swap3A, %swap3A_21] : memref<128x128xf32, #tpu.memory_space<vmem>>, vector<128x128xf32>
    tpu.vector_store %arg3[%swap3A, %swap3A_21], %div3A_20 {strides = array<i32>} : memref<128x128xf32, #tpu.memory_space<vmem>>, vector<128x128xf32>,
    return
  }
  func.func @transform_0(%arg0: i32) -> (i32, i32, i32) {
    %c0_i32 = arith.constant 0 : i32
    %c0_i32_0 = arith.constant 0 : i32
    %c0_i32_1 = arith.constant 0 : i32
    return %c0_i32, %arg0, %c0_i32_0 : i32, i32, i32
  }
  func.func @transform_1(%arg0: i32) -> (i32, i32) {
    %c0_i32 = arith.constant 0 : i32
    %c0_i32_0 = arith.constant 0 : i32
    return %c0_i32, %arg0 : i32, i32
  }
  func.func @transform_2(%arg0: i32) -> (i32, i32) {
    %c0_i32 = arith.constant 0 : i32
    %c0_i32_0 = arith.constant 0 : i32
    return %arg0, %c0_i32 : i32, i32
  }
}

</mosaic_0001>

<sc_bundles>
// kernel: kernel.4.cloned.1.call-start
scs
__scs_entry_jumppad:
0x0: {  	(pc) =	sbr.rel $0x88, $3  }
0x1: {  	(tag) =	ssettag $0x0;
	lr =	simm.s32 $0x1  }
0x2: {  	[smem:$0x3F9F] =	sst lr;
	_ =	strace $0xD0000000  }
0x3: {  	_ = 	snop  }
0x4: {  	_ = 	snop  }
0x5: {  	_ = 	snop  }
0x6: {  	_ = 	snop  }
0x7: {  	_ = 	snop  }
__scs_overlays_trampoline_lowered:
0x8: {  	[smem:$0x3FAE] =	sst s0  }
0x9: {  	[smem:$0x3FAF] =	sst s1  }
0xa: {  	[smem:$0x3FB0] =	sst s2  }
0xb: {  	[smem:$0x3FB1] =	sst s3  }
0xc: {  	[smem:$0x3FB2] =	sst s4  }
0xd: {  	[smem:$0x3FB3] =	sst s5  }
0xe: {  	[smem:$0x3FB4] =	sst s6  }
0xf: {  	[smem:$0x3FB5] =	sst s7  }
0x10: {  	[smem:$0x3FB6] =	sst s8  }
0x11: {  	[smem:$0x3FB7] =	sst s9;
	s0 =	simm.s32 @!p0 $0x0  }
0x12: {  	s1 =	sld [smem:$0x3F9D];
	s0 =	simm.s32 @p0 $0x1  }
0x13: {  	[smem:$0x3FB8] =	sst s0;
	s0 =	simm.s32 @!p1 $0x0  }
0x14: {  	s2 =	sld [smem:$0x3F9C];
	s0 =	simm.s32 @p1 $0x1  }
0x15: {  	[smem:$0x3FB9] =	sst s0;
	s0 =	simm.s32 @!p2 $0x0  }
0x16: {  	s3 =	sld [smem:$0x3FDB];
	s0 =	simm.s32 @p2 $0x1  }
0x17: {  	s4 =	simm.s32 $0x1BF5;
	[smem:$0x3FBB] =	sst s0  }
0x18: {  	s0 =	sld [smem:$0x3F9E];
	_ =	swait.ge [sflag:s4], $0x0  }
0x19: {  	s7 =	sld [smem:$0x3F9F]  }
0x1a: {  	s8 =	sadd.s32 $0xFFFFE003, lr  }
0x1b: {  	s9 =	sadd.s32 $0xFFFFFEF7, lr;
	s5 =	simm.s32 $0xFFFFFFFF;
	p2 =	slt.u32 s8, $0xFFFFF086  }
0x1c: {  	p1 =	slt.u32 s9, $0xF7A;
	s5 =	simm.s32 @!p2 $0x0  }
0x1d: {  	s5 =	simm.s32 @p1 $0x1;
	p0 =	seq.s32 s7, s2  }
0x1e: {  	s7 =	smul.u32 @!p0 $0xF7A, s2;
	p2 =	seq.s32 @!p0 s5, $0x0  }
0x1f: {  	s9 =	smul.u32 $0xF7A, s1;
	s8 =	simm.s32 @!p0 $0x1BF5;
	p2 =	por !p2, p0  }
0x20: {  	[sflag:s8] =	ssyncset.s32 @!p0 $0xFFFFF086;
	s6 =	sadd.s32 @!p0 s3, s7;
	s7 =	simm.s32 @!p0 $0x108  }
0x21: {  	s3 =	sadd.s32 s3, s9;
	s6 =	sadd.s32 @!p0 $0x88, s6;
	s7 =	simm.s32 @p2 $0x1082  }
0x22: {  	[simem:s7], [sflag:s8] =	dma.local @!p0 [hbm:s6], $0xF7A  }
0x23: {  	s9 =	sor.u32 $0xD0000000, s2;
	s6 =	simm.s32 $0x108;
	_ =	swait.ge @!p0 [sflag:s8], $0x0  }
0x24: {  	s3 =	sadd.s32 $0x88, s3;
	s6 =	simm.s32 @!p1 $0x1082;
	[sflag:s4] =	ssyncset.s32 $0xFFFFF086  }
0x25: {  	[simem:s6], [sflag:s4] =	dma.local [hbm:s3], $0xF7A  }
0x26: {  	[smem:$0x3F9F] =	sst s1;
	(tag) =	ssettag s2;
	_ =	strace s9  }
0x27: {  	s1 =	sld [smem:$0x3FAF]  }
0x28: {  	s2 =	sld [smem:$0x3FB0]  }
0x29: {  	s4 =	sld [smem:$0x3FB2]  }
0x2a: {  	p0 =	seq.s32 s5, $0x0;
	s5 =	sld [smem:$0x3FB3]  }
0x2b: {  	s6 =	sld [smem:$0x3FB4]  }
0x2c: {  	s7 =	sld [smem:$0x3FB5]  }
0x2d: {  	s3 =	simm.s32 $0x108;
	s8 =	sld [smem:$0x3FB6]  }
0x2e: {  	s3 =	simm.s32 @!p0 $0x1082;
	s9 =	sld [smem:$0x3FB7]  }
0x2f: {  	lr =	sadd.s32 s0, s3;
	s0 =	sld [smem:$0x3FAE]  }
0x30: {  	s3 =	sld [smem:$0x3FB1]  }
0x31: {  	[smem:$0x3FBA] =	sst s10  }
0x32: {  	s10 =	sld [smem:$0x3FB8];
	_ =	sdelay $0x3  }
0x33: {  	p0 =	seq.s32 s10, $0x1;
	s10 =	sld [smem:$0x3FBA];
	_ =	sdelay $0x3  }
0x34: {  	[smem:$0x3FBA] =	sst s10  }
0x35: {  	s10 =	sld [smem:$0x3FB9];
	_ =	sdelay $0x3  }
0x36: {  	p1 =	seq.s32 s10, $0x1;
	s10 =	sld [smem:$0x3FBA];
	_ =	sdelay $0x3  }
0x37: {  	[smem:$0x3FBA] =	sst s10  }
0x38: {  	s10 =	sld [smem:$0x3FBB]  }
0x39: {  	_ = 	snop;
	(pc) =	sbr.ind lr, $3  }
0x3a: {  	_ = 	snop  }
0x3b: {  	_ = 	snop  }
0x3c: {  	p2 =	seq.s32 s10, $0x1;
	s10 =	sld [smem:$0x3FBA]  }
0x3d: {  	_ =	shalt  }
0x3e: {  	_ =	shalt  }
0x3f: {  	_ =	shalt  }
0x40: {  	_ =	shalt  }
0x41: {  	_ =	shalt  }
0x42: {  	_ =	shalt  }
0x43: {  	_ =	shalt  }
0x44: {  	_ =	shalt  }
0x45: {  	_ =	shalt  }
0x46: {  	_ =	shalt  }
0x47: {  	_ =	shalt  }
0x48: {  	_ =	shalt  }
0x49: {  	_ =	shalt  }
0x4a: {  	_ =	shalt  }
0x4b: {  	_ =	shalt  }
0x4c: {  	_ =	shalt  }
0x4d: {  	_ =	shalt  }
0x4e: {  	_ =	shalt  }
0x4f: {  	_ =	shalt  }
0x50: {  	_ =	shalt  }
0x51: {  	_ =	shalt  }
0x52: {  	_ =	shalt  }
0x53: {  	_ =	shalt  }
0x54: {  	_ =	shalt  }
0x55: {  	_ =	shalt  }
0x56: {  	_ =	shalt  }
0x57: {  	_ =	shalt  }
0x58: {  	_ =	shalt  }
0x59: {  	_ =	shalt  }
0x5a: {  	_ =	shalt  }
0x5b: {  	_ =	shalt  }
0x5c: {  	_ =	shalt  }
0x5d: {  	_ =	shalt  }
0x5e: {  	_ =	shalt  }
0x5f: {  	_ =	shalt  }
0x60: {  	_ =	shalt  }
0x61: {  	_ =	shalt  }
0x62: {  	_ =	shalt  }
0x63: {  	_ =	shalt  }
0x64: {  	_ =	shalt  }
0x65: {  	_ =	shalt  }
0x66: {  	_ =	shalt  }
0x67: {  	_ =	shalt  }
0x68: {  	_ =	shalt  }
0x69: {  	_ =	shalt  }
0x6a: {  	_ =	shalt  }
0x6b: {  	_ =	shalt  }
0x6c: {  	_ =	shalt  }
0x6d: {  	_ =	shalt  }
0x6e: {  	_ =	shalt  }
0x6f: {  	_ =	shalt  }
0x70: {  	_ =	shalt  }
0x71: {  	_ =	shalt  }
0x72: {  	_ =	shalt  }
0x73: {  	_ =	shalt  }
0x74: {  	_ =	shalt  }
0x75: {  	_ =	shalt  }
0x76: {  	_ =	shalt  }
0x77: {  	_ =	shalt  }
0x78: {  	_ =	shalt  }
0x79: {  	_ =	shalt  }
0x7a: {  	_ =	shalt  }
0x7b: {  	_ =	shalt  }
0x7c: {  	_ =	shalt  }
0x7d: {  	_ =	shalt  }
0x7e: {  	_ =	shalt  }
0x7f: {  	_ =	shalt  }
0x80: {  	_ =	shalt  }
0x81: {  	_ =	shalt  }
0x82: {  	_ =	shalt  }
0x83: {  	_ =	shalt  }
0x84: {  	_ =	shalt  }
0x85: {  	_ =	shalt  }
0x86: {  	_ =	shalt  }
0x87: {  	_ =	shalt  }
.Lfunc_end0:
.L_simem_size_0:
called_computation_lowered:
.L_overlay_start_0:
0x88: {  	s2 =	sld [smem:$0x3FD9]  }
0x89: {  	s3 =	sld [smem:$0x3FFE];
	_ =	sdelay $0x1  }
0x8a: {  	s1 =	srdreg.scid  }
0x8b: {  	s0 =	sand.u32 $0x1, s1  }
0x8c: {  	s17 =	sshll.u32 s0, $0xA;
	s2 =	sadd.s32 s3, s2  }
0x8d: {  	s2 =	sadd.s32 s2, s17  }
0x8e: {  	[smem:$0x3FC6] =	sst s2  }
0x8f: {  	_ = 	snop  }
0x90: {  	s2 =	sld [smem:$0x3FC9]  }
0x91: {  	s18 =	sld [smem:$0x3FD0];
	(tm) =	ssettm $0x1  }
0x92: {  	s4 =	sld [smem:$0x3FFB];
	_ =	sdelay $0x3  }
0x93: {  	_ =	strace s4  }
0x94: {  	s4 =	sld [smem:$0x3FFC];
	_ =	sdelay $0x3  }
0x95: {  	_ =	strace s4  }
0x96: {  	s4 =	sld [smem:$0x3FFD];
	_ =	sdelay $0x3  }
0x97: {  	_ =	strace s4  }
0x98: {  	_ =	strace $0x8FFFFFFF  }
0x99: {  	s19 =	sld [smem:$0x3FDB];
	_ =	sdelay $0x1  }
0x9a: {  	s5 =	simm.s32 $_scs_section_size  }
0x9b: {  	s6 =	simm.s32 $_size__tile_overlayer_lowered;
	s7 =	simm.s32 $_tile_overlayer_lowered  }
0x9c: {  	s22 =	simm.s32 $0x1BFF;
	s21 =	sshll.u32 s7, $0x1;
	s4 =	sadd.s32 s5, s19  }
0x9d: {  	s8 =	simm.s32 $0x0;
	s20 =	sshll.u32 s6, $0x1;
	s6 =	sadd.s32 s21, s4  }
0x9e: {  	[timem:s8], [sflag:s22] =	dma.local [hbm:s6], s20  }
0x9f: {  	_ =	swait.ge [sflag:s22], s20  }
0xa0: {  	s5 =	ssub.s32 $0x0, s20;
	[sflag:s22] =	ssyncset.done $0x0  }
0xa1: {  	[sflag:s22] =	ssyncadd.s32 s5;
	_ =	sdelay $0x1  }
0xa2: {  	s23 =	simm.s32 $0x1B8B  }
0xa3: {  	_ =	swait.ge [sflag:s23], $0x1  }
0xa4: {  	[sflag:s23] =	ssyncset.done $0x0  }
0xa5: {  	s25 =	simm.s32 $0x1B8E;
	s24 =	sld [smem:$0x3FFE];
	[sflag:s23] =	ssyncadd.s32 $0xFFFFFFFF  }
0xa6: {  	s26 =	simm.s32 $execute0_lowered;
	[smem:$0x3FD2] =	sst s25  }
0xa7: {  	s6 =	sshll.u32 s26, $0x1;
	_ =	strace $0x80000046;
	[dreg:$0x1] =	wrdreg $0xFFFFFFFF  }
0xa8: {  	s28 =	simm.s32 $_size_execute0_lowered;
	s4 =	sadd.s32 s4, s6;
	[dreg:$0x0] =	wrdreg $0x0  }
0xa9: {  	s6 =	sshll.u32 s28, $0x1;
	[dreg:$0x2] =	wrdreg s4  }
0xaa: {  	[dreg:$0x3] =	wrdreg s6  }
0xab: {  	[dreg:$0x4] =	wrdreg $0xC0  }
0xac: {  	_ =	task [dreg:s8], $0x5FFFF  }
0xad: {  	[dreg:$0x1] =	wrdreg $0xFFFFFFFF  }
0xae: {  	[dreg:$0x0] =	wrdreg $0x60  }
0xaf: {  	[dreg:$0x2] =	wrdreg s2  }
0xb0: {  	[dreg:$0x3] =	wrdreg s24  }
0xb1: {  	[dreg:$0x4] =	wrdreg s18  }
0xb2: {  	[dreg:$0x5] =	wrdreg $0x8B000  }
0xb3: {  	[dreg:$0x6] =	wrdreg $0x1C7000  }
0xb4: {  	[dreg:$0x7] =	wrdreg $0x9  }
0xb5: {  	_ =	task.clear_ibuf [dreg:s8], $0x8FFFF;
	_ =	strace $0x90000046  }
0xb6: {  	s29 =	simm.s32 $0x9;
	_ =	strace $0x80000048  }
0xb7: {  	_ =	swait.ge [sflag:s29], $0x1  }
0xb8: {  	[sflag:s29] =	ssyncadd.s32 $0xFFFFFFFF  }
0xb9: {  	_ =	strace $0x90000048  }
0xba: {  	_ =	sfence  }
0xbb: {  	s30 =	sld [smem:$0x0];
	_ =	sdelay $0x2  }
0xbc: {  	s31 =	sshll.u32 s1, $0xD;
	s1 =	sshrl.u32 s1, $0x2  }
0xbd: {  	s3 =	sand.u32 $0x4000, s31;
	s1 =	sadd.s32 s1, s30  }
0xbe: {  	s0 =	sor.u32 s3, s0;
	s1 =	sshll.u32 s1, $0x11  }
0xbf: {  	s0 =	sor.u32 s1, s0  }
0xc0: {  	s0 =	sadd.s32 $0x8F2B, s0  }
0xc1: {  	[sflag:s0] =	ssyncadd.remote.s32 $0x1  }
0xc2: {  	_ =	sfence.sel $0xFFFF  }
0xc3: {  	[dreg:$0x0] =	wrdreg $0xFFFFFFFF;
	(pc) =	sbr.abs _section_cstart, $3  }
0xc4: {  	[dreg:$0x1] =	wrdreg $0xFFFFFFFF  }
0xc5: {  	_ =	task.clear_ibuf [dreg:s8], $0x2FFFF;
	_ =	strace $0x9FFFFFFF  }
0xc6: {  	(tm) =	ssettm $0x7FFFFFFF  }
0xc7: {  	_ =	shalt  }
tec
execute0_lowered:
.L_overlay_start_1:
0x0: {  	(tag) =	ssettag $0x1  }
0x1: {  	s0 =	rddreg [dreg:$0x0]  }
0x2: {  	s1 =	rddreg [dreg:$0x1]  }
0x3: {  	s3 =	rddreg [dreg:$0x2]  }
0x4: {  	s2 =	rddreg [dreg:$0x3]  }
0x5: {  	s4 =	srdreg.scid;
	s20 =	stileid.u32;
	s28 =	simm.s32 $0x8A80  }
0x6: {  	s29 =	simm.s32 $0x400;
	s30 =	simm.s32 $0x80;
	s7 =	smul.u32 $0x98, s20  }
0x7: {  	s31 =	simm.s32 $0x4800;
	s6 =	sand.u32 $0x1, s4;
	s10 =	smul.u32 $0x500, s20  }
0x8: {  	s5 =	sshll.u32 s20, $0x3;
	s4 =	rddreg [dreg:$0x4];
	s13 =	smul.u32 $0x4F000, s20  }
0x9: {  	s9 =	sadd.s32 $0xAA00, s1;
	s19 =	sadd.s32 $0xA800, s1;
	s14 =	smul.u32 $0x13C00, s20  }
0xa: {  	p0 =	seq.s32 s6, $0x0;
	s8 =	sor.u32 $0x980, s5;
	s5 =	simm.s32 $0x0  }
0xb: {  	s11 =	sshll.u32 s6, $0x7;
	s12 =	ssub.s32 $0x2, s6;
	s22 =	smul.u32 $0x13C000, s6  }
0xc: {  	s8 =	smov.u32 @p0 s7;
	[smem:$0x7FF] =	sst s5;
	s10 =	sor.u32 s11, s10  }
0xd: {  	s21 =	sshrl.u32 s12, $0x1;
	s13 =	sshrl.u32 s13, $0x2;
	s15 =	sadd.s32 $0x4000, s14  }
0xe: {  	s16 =	sadd.s32 $0x8000, s14;
	s17 =	sadd.s32 $0xC000, s14;
	p0 =	sne.s32 s6, $0x0  }
0xf: {  	s6 =	simm.s32 $0x2;
	_ =	strace $0x80000047;
	[dreg:$0x6] =	wrdreg s9  }
0x10: {  	s7 =	sshll.u32 s8, $0x4;
	[dreg:$0x7] =	wrdreg s19;
	s9 =	sadd.s32 $0xB200, s1  }
0x11: {  	s10 =	sshrl.u32 s10, $0x3;
	s11 =	ssub.s32 s12, s21;
	s18 =	sadd.s32 s14, s22  }
0x12: {  	s19 =	sadd.s32 s22, s15;
	s14 =	sadd.s32 $0x10000, s14;
	s24 =	sadd.s32 s22, s16  }
0x13: {  	s25 =	sadd.s32 s22, s17;
	s8 =	sadd.s32 s7, s1;
	s18 =	sshrl.u32 s18, $0x3  }
0x14: {  	s19 =	sshrl.u32 s19, $0x3;
	s12 =	sadd.s32 s22, s14;
	s26 =	sshrl.u32 s25, $0x3  }
0x15: {  	s10 =	sadd.s32 s10, s1;
	s1 =	sadd.s32 $0xA600, s1;
	s18 =	sadd.s32 s9, s18  }
0x16: {  	s23 =	sadd.s32 s9, s19;
	s12 =	sshrl.u32 s12, $0x3;
	[dreg:$0xd] =	wrdreg s1  }
0x17: {  	s19 =	sadd.s32 s15, s2;
	s22 =	sadd.s32 $0x5A200, s10;
	[dreg:$0x8] =	wrdreg s18  }
0x18: {  	s25 =	sadd.s32 $0x600, s8;
	s8 =	simm.s32 $0x4;
	[dreg:$0x9] =	wrdreg s23  }
0x19: {  	s10 =	simm.s32 $0x180;
	s15 =	simm.s32 $0x700;
	[dreg:$0xf] =	wrdreg s19  }
0x1a: {  	s18 =	sshrl.u32 s24, $0x3;
	s19 =	sadd.s32 s14, s2;
	[dreg:$0x14] =	wrdreg s22  }
0x1b: {  	s23 =	smax.u32 s11, $0x1;
	s24 =	sadd.s32 s7, s3;
	[dreg:$0x17] =	wrdreg s25  }
0x1c: {  	s25 =	simm.s32 $0x5;
	s3 =	simm.s32 $0x480;
	s7 =	simm.s32 $0x3  }
0x1d: {  	s11 =	simm.s32 $0x500;
	s22 =	simm.s32 $0x680;
	[dreg:$0x15] =	wrdreg s23  }
0x1e: {  	s14 =	simm.s32 $0x380;
	s18 =	sadd.s32 s9, s18;
	[dreg:$0x16] =	wrdreg s24  }
0x1f: {  	s24 =	simm.s32 $0x800;
	s23 =	simm.s32 $0x300;
	[dreg:$0x12] =	wrdreg s19  }
0x20: {  	[dreg:$0xa] =	wrdreg s18;
	s18 =	sadd.s32 s9, s26;
	s9 =	sadd.s32 s9, s12  }
0x21: {  	s12 =	smul.u32 $0xA00, s20;
	s20 =	sadd.s32 s16, s2;
	[dreg:$0xb] =	wrdreg s18  }
0x22: {  	s16 =	simm.s32 $0x780;
	s26 =	simm.s32 $0x0;
	[dreg:$0xc] =	wrdreg s9  }
0x23: {  	s18 =	sadd.s32 s13, s2;
	[dreg:$0x10] =	wrdreg s20;
	s9 =	simm.s32 $0x100  }
0x24: {  	s13 =	simm.s32 $0x200;
	s20 =	simm.s32 $0x280;
	[dreg:$0x18] =	wrdreg s26  }
0x25: {  	[dreg:$0xe] =	wrdreg s18;
	s21 =	sshrl.u32 s12, $0x2;
	s18 =	sadd.s32 s17, s2  }
0x26: {  	s12 =	simm.s32 $0x580;
	s1 =	sadd.s32 s21, s4;
	[dreg:$0x11] =	wrdreg s18  }
0x27: {  	s21 =	simm.s32 $0x600;
	[dreg:$0x13] =	wrdreg s1;
	s1 =	simm.s32 $0x1  }
.LBB2_1:
0x28: {  	s17 =	rddreg [dreg:$0x6]  }
0x29: {  	[tilespmem:s24], [sflag:$0x5] =	stream.linear.gather [hbm4b:s17+s5], $0x4000, $0x38;
	[tilespmem:$0x1C980] =	vst v63  }
0x2a: {  	_ =	swait.ge [sflag:s25], $0x4000  }
0x2b: {  	[sflag:s25] =	ssyncset.done $0x0  }
0x2c: {  	s26 =	simm.s32 $0x8800;
	s17 =	rddreg [dreg:$0x7];
	[sflag:s25] =	ssyncadd.s32 $0xFFFFC000  }
0x2d: {  	[tilespmem:s26], [sflag:$0x5] =	stream.linear.gather [hbm4b:s17+s5], $0x280, $0x38;
	[tilespmem:$0x1C980] =	vst v63  }
0x2e: {  	_ =	swait.ge [sflag:s25], $0x280  }
0x2f: {  	[sflag:s25] =	ssyncset.done $0x0  }
0x30: {  	s17 =	rddreg [dreg:$0xd];
	[sflag:s25] =	ssyncadd.s32 $0xFFFFFD80  }
0x31: {  	[tilespmem:s28], [sflag:$0x5] =	stream.linear.gather [hbm4b:s17+s5], $0x80, $0x38;
	[tilespmem:$0x1C980] =	vst v63  }
0x32: {  	_ =	swait.ge [sflag:s25], $0x80  }
0x33: {  	[sflag:s25] =	ssyncset.done $0x0  }
0x34: {  	s17 =	rddreg [dreg:$0xe];
	[sflag:s25] =	ssyncadd.s32 $0xFFFFFF80  }
0x35: {  	[spmem:s17] =	stream.linear.scatter [tilespmem:s24], [sflag:$0x5], $0x4000, $0x38;
	[tilespmem:$0x1C980] =	vst v63  }
0x36: {  	_ =	swait.ge [sflag:s25], $0x4000  }
0x37: {  	[sflag:s25] =	ssyncset.done $0x0  }
0x38: {  	s17 =	rddreg [dreg:$0xf];
	[sflag:s25] =	ssyncadd.s32 $0xFFFFC000  }
0x39: {  	[spmem:s17] =	stream.linear.scatter [tilespmem:s24], [sflag:$0x5], $0x4000, $0x38;
	[tilespmem:$0x1C980] =	vst v63  }
0x3a: {  	_ =	swait.ge [sflag:s25], $0x4000  }
0x3b: {  	[sflag:s25] =	ssyncset.done $0x0  }
0x3c: {  	s17 =	rddreg [dreg:$0x10];
	[sflag:s25] =	ssyncadd.s32 $0xFFFFC000  }
0x3d: {  	[spmem:s17] =	stream.linear.scatter [tilespmem:s24], [sflag:$0x5], $0x4000, $0x38;
	[tilespmem:$0x1C980] =	vst v63  }
0x3e: {  	_ =	swait.ge [sflag:s25], $0x4000  }
0x3f: {  	[sflag:s25] =	ssyncset.done $0x0  }
0x40: {  	[sflag:s25] =	ssyncadd.s32 $0xFFFFC000  }
0x41: {  	[spmem:s18] =	stream.linear.scatter [tilespmem:s24], [sflag:$0x5], $0x4000, $0x38;
	[tilespmem:$0x1C980] =	vst v63  }
0x42: {  	_ =	swait.ge [sflag:s25], $0x4000  }
0x43: {  	[sflag:s25] =	ssyncset.done $0x0  }
0x44: {  	[sflag:s25] =	ssyncadd.s32 $0xFFFFC000  }
0x45: {  	[spmem:s19] =	stream.linear.scatter [tilespmem:s24], [sflag:$0x5], $0x3C00, $0x38;
	[tilespmem:$0x1C980] =	vst v63  }
0x46: {  	_ =	swait.ge [sflag:s25], $0x3C00  }
0x47: {  	[sflag:s25] =	ssyncset.done $0x0  }
0x48: {  	s26 =	simm.s32 $0x8800;
	s19 =	rddreg [dreg:$0x13];
	[sflag:s25] =	ssyncadd.s32 $0xFFFFC400  }
0x49: {  	[spmem:s19] =	stream.linear.scatter [tilespmem:s26], [sflag:$0x5], $0x280, $0x38;
	[tilespmem:$0x1C980] =	vst v63  }
0x4a: {  	_ =	swait.ge [sflag:s25], $0x280  }
0x4b: {  	[sflag:s25] =	ssyncset.done $0x0  }
0x4c: {  	[sflag:s25] =	ssyncadd.s32 $0xFFFFFD80  }
0x4d: {  	[bflag:$0x0] =	sbarrier.arrive $0xFFFF  }
0x4e: {  	s18 =	rddreg [dreg:$0x17]  }
0x4f: {  	s26 =	simm.s32 $0x0;
	s19 =	rddreg [dreg:$0x16]  }
.LBB2_2:
0x50: {  	p1 =	seq.s32 s26, $0x0  }
0x51: {  	s17 =	simm.s32 @!p1 $0x3  }
0x52: {  	_ =	swait.ge @!p1 [sflag:s17], $0x4000  }
0x53: {  	[sflag:s17] =	ssyncset.done @!p1 $0x0  }
0x54: {  	[sflag:s17] =	ssyncadd.s32 @!p1 $0xFFFFC000;
	s17 =	simm.s32 @!p1 $0x4  }
0x55: {  	_ =	swait.ge @!p1 [sflag:s17], $0x4000  }
0x56: {  	[sflag:s17] =	ssyncset.done @!p1 $0x0  }
0x57: {  	[sflag:s17] =	ssyncadd.s32 @!p1 $0xFFFFC000  }
0x58: {  	[tilespmem:s5], [sflag:$0x5] =	stream.linear.gather [hbm4b:s18+s5], $0x400, $0x38;
	[tilespmem:$0x1C980] =	vst v63  }
0x59: {  	_ =	swait.ge [sflag:s25], $0x400  }
0x5a: {  	[sflag:s25] =	ssyncset.done $0x0  }
0x5b: {  	[sflag:s25] =	ssyncadd.s32 $0xFFFFFC00  }
0x5c: {  	[tilespmem:s29], [sflag:$0x5] =	stream.linear.gather [hbm4b:s19+s5], $0x400, $0x38;
	[tilespmem:$0x1C980] =	vst v63  }
0x5d: {  	_ =	swait.ge [sflag:s25], $0x400  }
0x5e: {  	[sflag:s25] =	ssyncset.done $0x0  }
0x5f: {  	[sflag:s25] =	ssyncadd.s32 $0xFFFFFC00  }
0x60: {  	[tilespmem:s24], [sflag:$0x1] =	stream.indirect.gather [hbm4b:s0+s30], $0x80, s5, s30, $0xb8;
	[tilespmem:$0x1C980] =	vst v63  }
0x61: {  	_ = 	snop  }
0x62: {  	[tilespmem:s31], [sflag:$0x2] =	stream.indirect.gather [hbm4b:s0+s30], $0x80, s30, s30, $0xb8;
	[tilespmem:$0x1C980] =	vst v63  }
0x63: {  	_ = 	snop  }
0x64: {  	[spmem:s4] =	stream.indirect.scatter.add.f32 [tilespmem:s28], [sflag:$0x5], $0x1, s29, s30, $0xb8;
	[tilespmem:$0x1C980] =	vst v63  }
0x65: {  	_ =	swait.ge [sflag:s25], $0x80  }
0x66: {  	[sflag:s25] =	ssyncset.done $0x0  }
0x67: {  	[sflag:s25] =	ssyncadd.s32 $0xFFFFFF80  }
0x68: {  	[spmem:s4] =	stream.indirect.scatter.add.f32 [tilespmem:s28], [sflag:$0x5], $0x1, s3, s30, $0xb8;
	[tilespmem:$0x1C980] =	vst v63  }
0x69: {  	_ =	swait.ge [sflag:s25], $0x80  }
0x6a: {  	[sflag:s25] =	ssyncset.done $0x0  }
0x6b: {  	[sflag:s25] =	ssyncadd.s32 $0xFFFFFF80  }
0x6c: {  	_ =	swait.ge [sflag:s1], $0x4000  }
0x6d: {  	[sflag:s1] =	ssyncset.done $0x0  }
0x6e: {  	[sflag:s1] =	ssyncadd.s32 $0xFFFFC000  }
0x6f: {  	[spmem:s2] =	stream.indirect.scatter.add.f32 [tilespmem:s24], [sflag:$0x3], $0x80, s29, s30, $0xb8;
	[tilespmem:$0x1C980] =	vst v63  }
0x70: {  	_ =	swait.ge [sflag:s6], $0x4000  }
0x71: {  	[sflag:s6] =	ssyncset.done $0x0  }
0x72: {  	[sflag:s6] =	ssyncadd.s32 $0xFFFFC000  }
0x73: {  	[spmem:s2] =	stream.indirect.scatter.add.f32 [tilespmem:s31], [sflag:$0x4], $0x80, s3, s30, $0xb8;
	[tilespmem:$0x1C980] =	vst v63  }
0x74: {  	_ =	swait.ge [sflag:s7], $0x4000  }
0x75: {  	[sflag:s7] =	ssyncset.done $0x0  }
0x76: {  	[sflag:s7] =	ssyncadd.s32 $0xFFFFC000  }
0x77: {  	_ =	swait.ge [sflag:s8], $0x4000  }
0x78: {  	[sflag:s8] =	ssyncset.done $0x0  }
0x79: {  	[sflag:s8] =	ssyncadd.s32 $0xFFFFC000  }
0x7a: {  	[tilespmem:s24], [sflag:$0x1] =	stream.indirect.gather [hbm4b:s0+s30], $0x80, s9, s30, $0xb8;
	[tilespmem:$0x1C980] =	vst v63  }
0x7b: {  	_ = 	snop  }
0x7c: {  	[tilespmem:s31], [sflag:$0x2] =	stream.indirect.gather [hbm4b:s0+s30], $0x80, s10, s30, $0xb8;
	[tilespmem:$0x1C980] =	vst v63  }
0x7d: {  	_ = 	snop  }
0x7e: {  	[spmem:s4] =	stream.indirect.scatter.add.f32 [tilespmem:s28], [sflag:$0x5], $0x1, s11, s30, $0xb8;
	[tilespmem:$0x1C980] =	vst v63  }
0x7f: {  	_ =	swait.ge [sflag:s25], $0x80  }
0x80: {  	[sflag:s25] =	ssyncset.done $0x0  }
0x81: {  	[sflag:s25] =	ssyncadd.s32 $0xFFFFFF80  }
0x82: {  	[spmem:s4] =	stream.indirect.scatter.add.f32 [tilespmem:s28], [sflag:$0x5], $0x1, s12, s30, $0xb8;
	[tilespmem:$0x1C980] =	vst v63  }
0x83: {  	_ =	swait.ge [sflag:s25], $0x80  }
0x84: {  	[sflag:s25] =	ssyncset.done $0x0  }
0x85: {  	[sflag:s25] =	ssyncadd.s32 $0xFFFFFF80  }
0x86: {  	_ =	swait.ge [sflag:s1], $0x4000  }
0x87: {  	[sflag:s1] =	ssyncset.done $0x0  }
0x88: {  	[sflag:s1] =	ssyncadd.s32 $0xFFFFC000  }
0x89: {  	[spmem:s2] =	stream.indirect.scatter.add.f32 [tilespmem:s24], [sflag:$0x3], $0x80, s11, s30, $0xb8;
	[tilespmem:$0x1C980] =	vst v63  }
0x8a: {  	_ =	swait.ge [sflag:s6], $0x4000  }
0x8b: {  	[sflag:s6] =	ssyncset.done $0x0  }
0x8c: {  	[sflag:s6] =	ssyncadd.s32 $0xFFFFC000  }
0x8d: {  	[spmem:s2] =	stream.indirect.scatter.add.f32 [tilespmem:s31], [sflag:$0x4], $0x80, s12, s30, $0xb8;
	[tilespmem:$0x1C980] =	vst v63  }
0x8e: {  	_ =	swait.ge [sflag:s7], $0x4000  }
0x8f: {  	[sflag:s7] =	ssyncset.done $0x0  }
0x90: {  	[sflag:s7] =	ssyncadd.s32 $0xFFFFC000  }
0x91: {  	_ =	swait.ge [sflag:s8], $0x4000  }
0x92: {  	[sflag:s8] =	ssyncset.done $0x0  }
0x93: {  	[sflag:s8] =	ssyncadd.s32 $0xFFFFC000  }
0x94: {  	[tilespmem:s24], [sflag:$0x1] =	stream.indirect.gather [hbm4b:s0+s30], $0x80, s13, s30, $0xb8;
	[tilespmem:$0x1C980] =	vst v63  }
0x95: {  	_ = 	snop  }
0x96: {  	[tilespmem:s31], [sflag:$0x2] =	stream.indirect.gather [hbm4b:s0+s30], $0x80, s20, s30, $0xb8;
	[tilespmem:$0x1C980] =	vst v63  }
0x97: {  	_ = 	snop  }
0x98: {  	[spmem:s4] =	stream.indirect.scatter.add.f32 [tilespmem:s28], [sflag:$0x5], $0x1, s21, s30, $0xb8;
	[tilespmem:$0x1C980] =	vst v63  }
0x99: {  	_ =	swait.ge [sflag:s25], $0x80  }
0x9a: {  	[sflag:s25] =	ssyncset.done $0x0  }
0x9b: {  	[sflag:s25] =	ssyncadd.s32 $0xFFFFFF80  }
0x9c: {  	[spmem:s4] =	stream.indirect.scatter.add.f32 [tilespmem:s28], [sflag:$0x5], $0x1, s22, s30, $0xb8;
	[tilespmem:$0x1C980] =	vst v63  }
0x9d: {  	_ =	swait.ge [sflag:s25], $0x80  }
0x9e: {  	[sflag:s25] =	ssyncset.done $0x0  }
0x9f: {  	[sflag:s25] =	ssyncadd.s32 $0xFFFFFF80  }
0xa0: {  	_ =	swait.ge [sflag:s1], $0x4000  }
0xa1: {  	[sflag:s1] =	ssyncset.done $0x0  }
0xa2: {  	[sflag:s1] =	ssyncadd.s32 $0xFFFFC000  }
0xa3: {  	[spmem:s2] =	stream.indirect.scatter.add.f32 [tilespmem:s24], [sflag:$0x3], $0x80, s21, s30, $0xb8;
	[tilespmem:$0x1C980] =	vst v63  }
0xa4: {  	_ =	swait.ge [sflag:s6], $0x4000  }
0xa5: {  	[sflag:s6] =	ssyncset.done $0x0  }
0xa6: {  	[sflag:s6] =	ssyncadd.s32 $0xFFFFC000  }
0xa7: {  	[spmem:s2] =	stream.indirect.scatter.add.f32 [tilespmem:s31], [sflag:$0x4], $0x80, s22, s30, $0xb8;
	[tilespmem:$0x1C980] =	vst v63  }
0xa8: {  	_ =	swait.ge [sflag:s7], $0x4000  }
0xa9: {  	[sflag:s7] =	ssyncset.done $0x0  }
0xaa: {  	[sflag:s7] =	ssyncadd.s32 $0xFFFFC000  }
0xab: {  	_ =	swait.ge [sflag:s8], $0x4000  }
0xac: {  	[sflag:s8] =	ssyncset.done $0x0  }
0xad: {  	[sflag:s8] =	ssyncadd.s32 $0xFFFFC000  }
0xae: {  	[tilespmem:s24], [sflag:$0x1] =	stream.indirect.gather [hbm4b:s0+s30], $0x80, s23, s30, $0xb8;
	[tilespmem:$0x1C980] =	vst v63  }
0xaf: {  	_ = 	snop  }
0xb0: {  	[tilespmem:s31], [sflag:$0x2] =	stream.indirect.gather [hbm4b:s0+s30], $0x80, s14, s30, $0xb8;
	[tilespmem:$0x1C980] =	vst v63  }
0xb1: {  	_ = 	snop  }
0xb2: {  	[spmem:s4] =	stream.indirect.scatter.add.f32 [tilespmem:s28], [sflag:$0x5], $0x1, s15, s30, $0xb8;
	[tilespmem:$0x1C980] =	vst v63  }
0xb3: {  	_ =	swait.ge [sflag:s25], $0x80  }
0xb4: {  	[sflag:s25] =	ssyncset.done $0x0  }
0xb5: {  	[sflag:s25] =	ssyncadd.s32 $0xFFFFFF80  }
0xb6: {  	[spmem:s4] =	stream.indirect.scatter.add.f32 [tilespmem:s28], [sflag:$0x5], $0x1, s16, s30, $0xb8;
	[tilespmem:$0x1C980] =	vst v63  }
0xb7: {  	_ =	swait.ge [sflag:s25], $0x80  }
0xb8: {  	[sflag:s25] =	ssyncset.done $0x0  }
0xb9: {  	[sflag:s25] =	ssyncadd.s32 $0xFFFFFF80  }
0xba: {  	_ =	swait.ge [sflag:s1], $0x4000  }
0xbb: {  	p1 =	slt.u32 @!p0 s26, $0x12;
	[sflag:s1] =	ssyncset.done $0x0  }
0xbc: {  	p1 =	por p0, !p1;
	[sflag:s1] =	ssyncadd.s32 $0xFFFFC000  }
0xbd: {  	[spmem:s2] =	stream.indirect.scatter.add.f32 [tilespmem:s24], [sflag:$0x3], $0x80, s15, s30, $0xb8;
	[tilespmem:$0x1C980] =	vst v63  }
.Ltmp0:
0xbe: {  	_ = 	snop;
	(pc) =	sbr.rel @!p1 .LBB2_2-.Ltmp0, $4  }
0xbf: {  	_ =	swait.ge [sflag:s6], $0x4000  }
0xc0: {  	s26 =	sadd.s32 $0x1, s26;
	[sflag:s6] =	ssyncset.done $0x0  }
0xc1: {  	s18 =	sadd.s32 $0x80, s18;
	s19 =	sadd.s32 $0x80, s19;
	[sflag:s6] =	ssyncadd.s32 $0xFFFFC000  }
0xc2: {  	[spmem:s2] =	stream.indirect.scatter.add.f32 [tilespmem:s31], [sflag:$0x4], $0x80, s16, s30, $0xb8;
	[tilespmem:$0x1C980] =	vst v63  }
0xc3: {  	_ =	swait.ge [sflag:s7], $0x4000  }
0xc4: {  	[sflag:s7] =	ssyncset.done $0x0  }
0xc5: {  	[sflag:s7] =	ssyncadd.s32 $0xFFFFC000  }
0xc6: {  	_ =	swait.ge [sflag:s8], $0x4000  }
0xc7: {  	[sflag:s8] =	ssyncset.done $0x0  }
0xc8: {  	[sflag:s8] =	ssyncadd.s32 $0xFFFFC000  }
0xc9: {  	[bflag:$0x0] =	sbarrier.arrive $0xFFFF  }
0xca: {  	s18 =	simm.s32 $0x8800;
	s17 =	rddreg [dreg:$0x13]  }
0xcb: {  	[tilespmem:s18], [sflag:$0x5] =	stream.linear.gather [spmem:s17], $0x280, $0x38;
	[tilespmem:$0x1C980] =	vst v63  }
0xcc: {  	_ =	swait.ge [sflag:s25], $0x280  }
0xcd: {  	[sflag:s25] =	ssyncset.done $0x0  }
0xce: {  	s26 =	rddreg [dreg:$0x14];
	[sflag:s25] =	ssyncadd.s32 $0xFFFFFD80  }
0xcf: {  	[hbm4b:s26+s30] =	stream.strided.scatter [tilespmem:s18], [sflag:$0x5], $0x280, s9, s30, $0x38;
	[tilespmem:$0x1C980] =	vst v63  }
0xd0: {  	_ =	swait.ge [sflag:s25], $0x280  }
0xd1: {  	[sflag:s25] =	ssyncset.done $0x0  }
0xd2: {  	s19 =	rddreg [dreg:$0xe];
	[sflag:s25] =	ssyncadd.s32 $0xFFFFFD80  }
0xd3: {  	[tilespmem:s24], [sflag:$0x5] =	stream.linear.gather [spmem:s19], $0x4000, $0x38;
	[tilespmem:$0x1C980] =	vst v63  }
0xd4: {  	_ =	swait.ge [sflag:s25], $0x4000  }
0xd5: {  	[sflag:s25] =	ssyncset.done $0x0  }
0xd6: {  	s26 =	rddreg [dreg:$0x8];
	[sflag:s25] =	ssyncadd.s32 $0xFFFFC000  }
0xd7: {  	[hbm4b:s26+s5] =	stream.linear.scatter [tilespmem:s24], [sflag:$0x5], $0x4000, $0x38;
	[tilespmem:$0x1C980] =	vst v63  }
0xd8: {  	_ =	swait.ge [sflag:s25], $0x4000  }
0xd9: {  	[sflag:s25] =	ssyncset.done $0x0  }
0xda: {  	s18 =	rddreg [dreg:$0xf];
	[sflag:s25] =	ssyncadd.s32 $0xFFFFC000  }
0xdb: {  	[tilespmem:s24], [sflag:$0x5] =	stream.linear.gather [spmem:s18], $0x4000, $0x38;
	[tilespmem:$0x1C980] =	vst v63  }
0xdc: {  	_ =	swait.ge [sflag:s25], $0x4000  }
0xdd: {  	[sflag:s25] =	ssyncset.done $0x0  }
0xde: {  	s19 =	rddreg [dreg:$0x9];
	[sflag:s25] =	ssyncadd.s32 $0xFFFFC000  }
0xdf: {  	[hbm4b:s19+s5] =	stream.linear.scatter [tilespmem:s24], [sflag:$0x5], $0x4000, $0x38;
	[tilespmem:$0x1C980] =	vst v63  }
0xe0: {  	_ =	swait.ge [sflag:s25], $0x4000  }
0xe1: {  	[sflag:s25] =	ssyncset.done $0x0  }
0xe2: {  	s26 =	rddreg [dreg:$0x10];
	[sflag:s25] =	ssyncadd.s32 $0xFFFFC000  }
0xe3: {  	[tilespmem:s24], [sflag:$0x5] =	stream.linear.gather [spmem:s26], $0x4000, $0x38;
	[tilespmem:$0x1C980] =	vst v63  }
0xe4: {  	_ =	swait.ge [sflag:s25], $0x4000  }
0xe5: {  	[sflag:s25] =	ssyncset.done $0x0  }
0xe6: {  	s18 =	rddreg [dreg:$0xa];
	[sflag:s25] =	ssyncadd.s32 $0xFFFFC000  }
0xe7: {  	[hbm4b:s18+s5] =	stream.linear.scatter [tilespmem:s24], [sflag:$0x5], $0x4000, $0x38;
	[tilespmem:$0x1C980] =	vst v63  }
0xe8: {  	_ =	swait.ge [sflag:s25], $0x4000  }
0xe9: {  	[sflag:s25] =	ssyncset.done $0x0  }
0xea: {  	s18 =	rddreg [dreg:$0x11];
	[sflag:s25] =	ssyncadd.s32 $0xFFFFC000  }
0xeb: {  	[tilespmem:s24], [sflag:$0x5] =	stream.linear.gather [spmem:s18], $0x4000, $0x38;
	[tilespmem:$0x1C980] =	vst v63  }
0xec: {  	_ =	swait.ge [sflag:s25], $0x4000  }
0xed: {  	[sflag:s25] =	ssyncset.done $0x0  }
0xee: {  	s19 =	rddreg [dreg:$0xb];
	[sflag:s25] =	ssyncadd.s32 $0xFFFFC000  }
0xef: {  	[hbm4b:s19+s5] =	stream.linear.scatter [tilespmem:s24], [sflag:$0x5], $0x4000, $0x38;
	[tilespmem:$0x1C980] =	vst v63  }
0xf0: {  	_ =	swait.ge [sflag:s25], $0x4000  }
0xf1: {  	[sflag:s25] =	ssyncset.done $0x0  }
0xf2: {  	s19 =	rddreg [dreg:$0x12];
	[sflag:s25] =	ssyncadd.s32 $0xFFFFC000  }
0xf3: {  	[tilespmem:s24], [sflag:$0x5] =	stream.linear.gather [spmem:s19], $0x3C00, $0x38;
	[tilespmem:$0x1C980] =	vst v63  }
0xf4: {  	_ =	swait.ge [sflag:s25], $0x3C00  }
0xf5: {  	[sflag:s25] =	ssyncset.done $0x0  }
0xf6: {  	s26 =	rddreg [dreg:$0xc];
	[sflag:s25] =	ssyncadd.s32 $0xFFFFC400  }
0xf7: {  	[hbm4b:s26+s5] =	stream.linear.scatter [tilespmem:s24], [sflag:$0x5], $0x3C00, $0x38;
	[tilespmem:$0x1C980] =	vst v63  }
0xf8: {  	_ =	swait.ge [sflag:s25], $0x3C00  }
0xf9: {  	s26 =	rddreg [dreg:$0x18]  }
0xfa: {  	s17 =	rddreg [dreg:$0x15];
	s26 =	sadd.s32 $0x1, s26  }
0xfb: {  	p1 =	sne.s32 s26, s17  }
.Ltmp1:
0xfc: {  	_ = 	snop;
	(pc) =	sbr.rel @p1 .LBB2_1-.Ltmp1, $3  }
0xfd: {  	_ =	sdelay $0x1  }
0xfe: {  	[sflag:s25] =	ssyncset.done $0x0  }
0xff: {  	[sflag:s25] =	ssyncadd.s32 $0xFFFFC400;
	[dreg:$0x18] =	wrdreg s26  }
0x100: {  	_ =	sfence.sel $0x180000  }
0x101: {  	[bflag:$0x0] =	sbarrier.arrive $0xFFFF  }
0x102: {  	_ =	strace $0x90000047  }
0x103: {  	s0 =	stileid.u32;
	[bflag:$0x2] =	sbarrier.arrive $0xFFFF  }
0x104: {  	p0 =	sne.s32 s0, $0x0;
	s0 =	rddreg [dreg:$0x5]  }
0x105: {  	s0 =	sadd.s32 @!p0 $0x100000, s0  }
0x106: {  	[sflag:s0] =	ssyncadd.tile.s32 @!p0 $0x1;
	_ =	shalt  }
.Lfunc_end2:
_tile_overlayer_lowered:
.L_overlay_start_2:
0x107: {  	(tag) =	ssettag $0x2  }
0x108: {  	s0 =	rddreg [dreg:$0x0];
	s2 =	stileid.u32  }
0x109: {  	s1 =	rddreg [dreg:$0x1];
	p0 =	sne.s32 s2, $0x0  }
0x10a: {  	s3 =	rddreg [dreg:$0x2];
	[bflag:$0x3] =	sbarrier.arrive $0xFFFF;
	s2 =	simm.s32 @!p0 $0x1C05  }
0x10b: {  	[timem:s3], [sflag:s2] =	dma.local @!p0 [hbm:s0], s1  }
0x10c: {  	s0 =	simm.s32 @!p0 $0x5  }
0x10d: {  	_ =	swait.ge @!p0 [sflag:s0], s1  }
0x10e: {  	s1 =	ssub.s32 @!p0 $0x0, s1;
	[sflag:s0] =	ssyncset.done @!p0 $0x0  }
0x10f: {  	[sflag:s0] =	ssyncadd.s32 @!p0 s1  }
0x110: {  	[bflag:$0x3] =	sbarrier.arrive $0xFFFF  }
0x111: {  	_ =	shalt  }

</sc_bundles>
